<compile_context>
chip_gen: v7x
topology: tpu7x:2x2x1
jax: 0.10.2.dev20260603
libtpu: 0.0.44.dev20260713+nightly
codegen_flags: <defaults>
</compile_context>

<pallas_src>
import functools

import jax
import jax.numpy as jnp
from jax import lax
from jax.experimental import pallas as pl
from jax.experimental.pallas import tpu as pltpu
from jax.experimental.pallas import tpu_sc as plsc



def _mm_body(x_ref, w_ref, o_ref):
    o_ref[...] = jnp.maximum(
        jnp.dot(x_ref[...], w_ref[...], preferred_element_type=jnp.float32), 0.0)


def _relu_matmul(x, W):
    N, Din = x.shape
    Dout = W.shape[1]
    BN = 5000
    grid = (N // BN,)
    return pl.pallas_call(
        _mm_body,
        grid=grid,
        in_specs=[
            pl.BlockSpec((BN, Din), lambda i: (i, 0)),
            pl.BlockSpec((Din, Dout), lambda i: (0, 0)),
        ],
        out_specs=pl.BlockSpec((BN, Dout), lambda i: (i, 0)),
        out_shape=jax.ShapeDtypeStruct((N, Dout), jnp.float32),
    )(x, W)



def _make_sc_aggregate(N, E, D, Npad, C, rpt):
    info = plsc.get_sparse_core_info()
    NC, NS = info.num_cores, info.num_subcores
    NW = NC * NS
    nch = E // C
    base_ch = nch // NW
    extra = nch - base_ch * NW
    GK = 6
    ngr = base_ch // GK
    assert ngr * GK == base_ch
    ZR = rpt // 8

    mesh = plsc.VectorSubcoreMesh(core_axis_name="c", subcore_axis_name="s")

    @functools.partial(
        pl.kernel,
        out_type=[
            jax.ShapeDtypeStruct((NC, Npad, D), jnp.float32),
            jax.ShapeDtypeStruct((NC, Npad, 8), jnp.float32),
        ],
        mesh=mesh,
        compiler_params=pltpu.CompilerParams(use_tc_tiling_on_sc=False),
        scratch_types=[
            pltpu.VMEM_SHARED((Npad, D), jnp.float32),
            pltpu.VMEM_SHARED((Npad, 8), jnp.float32),
            pltpu.VMEM((3, GK * C), jnp.int32),
            pltpu.VMEM((3, GK * C), jnp.int32),
            pltpu.VMEM((2, C), jnp.int32),
            pltpu.VMEM((2, C, D), jnp.float32),
            pltpu.VMEM((C, 8), jnp.float32),
            pltpu.VMEM((ZR, 8), jnp.float32),
            pltpu.SemaphoreType.DMA((2,)),
            pltpu.SemaphoreType.DMA((3,)),
            pltpu.SemaphoreType.DMA((2,)),
        ],
    )
    def sc_agg(feat_hbm, edge_hbm, const_hbm, sum_hbm, cnt_hbm,
               acc, cnt, grow_v, gcol_v, rowm_v, rows_v, ones_v, zc_v,
               sem, gsem, ssem):
        c = lax.axis_index("c")
        s = lax.axis_index("s")
        wid = c * NS + s
        cstart = base_ch * wid

        def load_group(g):
            gb = lax.rem(g, 3)
            off = (cstart + g * GK) * C
            pltpu.async_copy(edge_hbm.at[pl.ds(off, GK * C)],
                             grow_v.at[gb], gsem.at[gb])
            pltpu.async_copy(edge_hbm.at[pl.ds(E + off, GK * C)],
                             gcol_v.at[gb], gsem.at[gb])

        load_group(0)

        zero16 = jnp.zeros((16,), jnp.float32)
        pltpu.async_copy(const_hbm.at[pl.ds(0, C)], ones_v, sem.at[0])
        pltpu.async_copy(const_hbm.at[pl.ds(C, ZR)], zc_v, sem.at[1])

        def fill_z(i, _):
            rows_v[0, i // (D // 16), pl.ds((i % (D // 16)) * 16, 16)] = zero16
            return 0
        lax.fori_loop(0, C * (D // 16), fill_z, 0)

        pltpu.make_async_copy(const_hbm.at[pl.ds(0, C)], ones_v,
                              sem.at[0]).wait()
        pltpu.make_async_copy(const_hbm.at[pl.ds(C, ZR)], zc_v,
                              sem.at[1]).wait()

        rbase = s * rpt
        nz = rpt // C
        rem_rows = rpt - nz * C
        for k in range(nz):
            pltpu.async_copy(rows_v.at[0], acc.at[pl.ds(rbase + k * C, C)],
                             ssem.at[0])
        if rem_rows:
            pltpu.async_copy(rows_v.at[0, pl.ds(0, rem_rows)],
                             acc.at[pl.ds(rbase + nz * C, rem_rows)], ssem.at[0])
        for k in range(8):
            pltpu.async_copy(zc_v, cnt.at[pl.ds(rbase + k * ZR, ZR)], ssem.at[1])
        for k in range(nz):
            pltpu.make_async_copy(rows_v.at[0], acc.at[pl.ds(rbase + k * C, C)],
                                  ssem.at[0]).wait()
        if rem_rows:
            pltpu.make_async_copy(rows_v.at[0, pl.ds(0, rem_rows)],
                                  acc.at[pl.ds(rbase + nz * C, rem_rows)],
                                  ssem.at[0]).wait()
        for k in range(8):
            pltpu.make_async_copy(zc_v, cnt.at[pl.ds(rbase + k * ZR, ZR)],
                                  ssem.at[1]).wait()
        plsc.subcore_barrier()

        def wait_group(g):
            gb = lax.rem(g, 3)
            pltpu.make_async_copy(edge_hbm.at[pl.ds(0, GK * C)],
                                  grow_v.at[gb], gsem.at[gb]).wait()
            pltpu.make_async_copy(edge_hbm.at[pl.ds(0, GK * C)],
                                  gcol_v.at[gb], gsem.at[gb]).wait()

        def stage(i):
            b = lax.rem(i, 2)
            g = i // GK
            gb = lax.rem(g, 3)
            kofs = lax.rem(i, GK) * C
            for j in range(C // 16):
                r = grow_v[gb, pl.ds(kofs + j * 16, 16)]
                cc = gcol_v[gb, pl.ds(kofs + j * 16, 16)]
                rowm_v[b, pl.ds(j * 16, 16)] = jnp.where(r == cc, N, r)
            pltpu.async_copy(feat_hbm.at[gcol_v.at[gb, pl.ds(kofs, C)]],
                             rows_v.at[b], sem.at[b])

        def wait_gather(i):
            b = lax.rem(i, 2)
            g = i // GK
            gb = lax.rem(g, 3)
            kofs = lax.rem(i, GK) * C
            pltpu.make_async_copy(
                feat_hbm.at[gcol_v.at[gb, pl.ds(kofs, C)]],
                rows_v.at[b], sem.at[b]).wait()

        def start_scatters(i):
            b = lax.rem(i, 2)
            pltpu.async_copy(rows_v.at[b], acc.at[rowm_v.at[b]],
                             ssem.at[b], add=True)
            pltpu.async_copy(ones_v, cnt.at[rowm_v.at[b]],
                             ssem.at[b], add=True)

        def wait_scatters(i):
            b = lax.rem(i, 2)
            pltpu.make_async_copy(rows_v.at[b], acc.at[pl.ds(0, C)],
                                  ssem.at[b]).wait()
            pltpu.make_async_copy(ones_v, cnt.at[pl.ds(0, C)],
                                  ssem.at[b]).wait()

        ntot = ngr * GK

        def body(i, _):
            g = i // GK
            at_group = lax.rem(i, GK) == 0

            @pl.when(i > 1)
            def _():
                wait_scatters(i - 2)

            @pl.when(at_group)
            def _():
                wait_group(g)

            @pl.when(jnp.logical_and(at_group, g + 1 < ngr))
            def _():
                load_group(g + 1)

            stage(i)

            @pl.when(i > 0)
            def _():
                wait_gather(i - 1)
                start_scatters(i - 1)
            return 0
        lax.fori_loop(0, ntot, body, 0)
        wait_gather(ntot - 1)
        start_scatters(ntot - 1)
        wait_scatters(ntot - 2)
        wait_scatters(ntot - 1)

        @pl.when(wid < extra)
        def _():
            toff = (NW * base_ch + wid) * C
            pltpu.sync_copy(edge_hbm.at[pl.ds(toff, C)],
                            grow_v.at[0, pl.ds(0, C)])
            pltpu.sync_copy(edge_hbm.at[pl.ds(E + toff, C)],
                            gcol_v.at[0, pl.ds(0, C)])
            for j in range(C // 16):
                r = grow_v[0, pl.ds(j * 16, 16)]
                cc = gcol_v[0, pl.ds(j * 16, 16)]
                rowm_v[0, pl.ds(j * 16, 16)] = jnp.where(r == cc, N, r)
            pltpu.async_copy(feat_hbm.at[gcol_v.at[0, pl.ds(0, C)]],
                             rows_v.at[0], sem.at[0])
            pltpu.make_async_copy(
                feat_hbm.at[gcol_v.at[0, pl.ds(0, C)]],
                rows_v.at[0], sem.at[0]).wait()
            pltpu.sync_copy(rows_v.at[0], acc.at[rowm_v.at[0]], add=True)
            pltpu.sync_copy(ones_v, cnt.at[rowm_v.at[0]], add=True)

        plsc.subcore_barrier()
        pltpu.async_copy(acc.at[pl.ds(rbase, rpt)],
                         sum_hbm.at[c, pl.ds(rbase, rpt)], sem.at[0])
        pltpu.async_copy(cnt.at[pl.ds(rbase, rpt)],
                         cnt_hbm.at[c, pl.ds(rbase, rpt)], sem.at[1])
        pltpu.make_async_copy(acc.at[pl.ds(rbase, rpt)],
                              sum_hbm.at[c, pl.ds(rbase, rpt)], sem.at[0]).wait()
        pltpu.make_async_copy(cnt.at[pl.ds(rbase, rpt)],
                              cnt_hbm.at[c, pl.ds(rbase, rpt)], sem.at[1]).wait()

    return sc_agg



def _div_body(ps_ref, pc_ref, feat_ref, o_ref):
    total = ps_ref[0] + ps_ref[1] + feat_ref[...]
    den = pc_ref[0, :, 0:1] + pc_ref[1, :, 0:1] + 1.0
    o_ref[...] = total / den


def _combine(psum, pcnt, feat):
    N, D = feat.shape
    BN = 5000
    grid = (N // BN,)
    return pl.pallas_call(
        _div_body,
        grid=grid,
        in_specs=[
            pl.BlockSpec((2, BN, D), lambda i: (0, i, 0)),
            pl.BlockSpec((2, BN, 8), lambda i: (0, i, 0)),
            pl.BlockSpec((BN, D), lambda i: (i, 0)),
        ],
        out_specs=pl.BlockSpec((BN, D), lambda i: (i, 0)),
        out_shape=jax.ShapeDtypeStruct((N, D), jnp.float32),
    )(psum, pcnt, feat)



def kernel(x, edge_index, W):
    N, _ = x.shape
    D = W.shape[1]
    E = edge_index.shape[1]

    info = plsc.get_sparse_core_info()
    NS = info.num_subcores
    C = 128
    assert E % C == 0
    rpt = -(-(N + 1) // NS)
    rpt = -(-rpt // 8) * 8
    Npad = rpt * NS

    feat = _relu_matmul(x, W)
    const = jnp.concatenate([jnp.ones((C, 8), jnp.float32),
                             jnp.zeros((rpt // 8, 8), jnp.float32)], axis=0)
    psum, pcnt = _make_sc_aggregate(N, E, D, Npad, C, rpt)(
        feat, edge_index.reshape(-1), const)
    return _combine(psum, pcnt, feat)

# --- scband reference (transcript-rebuilt; emitter-appended) ---
"""Pipeline reference for scband-sageconv-19645180412751 (READ-ONLY COPY).

The authoritative reference and input builder live on the scoring server;
editing this copy changes nothing except your own understanding.
"""

import jax, jax.numpy as jnp
import numpy as np


def setup_inputs(seed: int = 0) -> dict:
    key = jax.random.key(seed)
    k1, k2, k3 = jax.random.split(key, 3)
    N, E, d_in, d_out = 10000, 320000, 128, 128
    x = jax.random.normal(k1, (N, d_in), dtype=jnp.float32)
    edge_index = jax.random.randint(k2, (2, E), 0, N, dtype=jnp.int32)
    # uniform(size, weight) init from the torch module: bound = 1/sqrt(in_channels)
    bound = 1.0 / np.sqrt(d_in)
    W = jax.random.uniform(k3, (d_in, d_out), minval=-bound, maxval=bound, dtype=jnp.float32)
    return {"x": x, "edge_index": edge_index, "W": W}


def reference(x, edge_index, W):
    N = x.shape[0]
    # remove_self_loops
    row, col = edge_index[0], edge_index[1]
    mask = row != col
    row = jnp.where(mask, row, jnp.asarray(N, dtype=row.dtype))
    # add_self_loops
    loop = jnp.arange(N, dtype=row.dtype)
    row = jnp.concatenate([row, loop])
    col = jnp.concatenate([col, loop])
    # pool == 'mean', bias is None, act = relu
    out = jax.nn.relu(jnp.matmul(x, W))
    gathered = jnp.take(out, col, axis=0)
    seg_sum = jax.ops.segment_sum(gathered, row, num_segments=N)
    cnt = jax.ops.segment_sum(jnp.ones_like(row, dtype=out.dtype), row, num_segments=N)
    out = seg_sum / jnp.clip(cnt, 1.0)[:, None]
    # normalize=False -> return as-is
    return out

if __name__ == "__main__":
    import jax
    _d = setup_inputs()
    print(jax.jit(kernel)(*tuple(_d.values())))

</pallas_src>

<mosaic_0001>
#map = affine_map<(d0, d1) -> (0, 0)>
#map1 = affine_map<(d0, d1) -> (0)>
#map2 = affine_map<(d0, d1) -> (0, 0, 0)>
module attributes {stable_mosaic.version = 14 : i64} {
  func.func @sc_agg(%arg0: i32, %arg1: i32, %arg2: memref<10000x128xf32, #tpu.memory_space<hbm>>, %arg3: memref<640000xi32, #tpu.memory_space<hbm>>, %arg4: memref<207x8xf32, #tpu.memory_space<hbm>>, %arg5: memref<2x10112x128xf32, #tpu.memory_space<hbm>>, %arg6: memref<2x10112x8xf32, #tpu.memory_space<hbm>>, %arg7: memref<10112x128xf32, #tpu.memory_space<vmem_shared>>, %arg8: memref<10112x8xf32, #tpu.memory_space<vmem_shared>>, %arg9: memref<3x768xi32, #tpu.memory_space<vmem>>, %arg10: memref<3x768xi32, #tpu.memory_space<vmem>>, %arg11: memref<2x128xi32, #tpu.memory_space<vmem>>, %arg12: memref<2x128x128xf32, #tpu.memory_space<vmem>>, %arg13: memref<128x8xf32, #tpu.memory_space<vmem>>, %arg14: memref<79x8xf32, #tpu.memory_space<vmem>>, %arg15: memref<2x!tpu.dma_semaphore, #tpu.memory_space<semaphore_mem>>, %arg16: memref<3x!tpu.dma_semaphore, #tpu.memory_space<semaphore_mem>>, %arg17: memref<2x!tpu.dma_semaphore, #tpu.memory_space<semaphore_mem>>) attributes {dimension_semantics = [#tpu.dimension_semantics<core_parallel>, #tpu.dimension_semantics<subcore_parallel>], iteration_bounds = array<i64: 2, 16>, scalar_prefetch = 0 : i64, scratch_operands = 11 : i64, tpu.core_type = #tpu.core_type<sc_vector_subcore>, window_params = [{transform_indices = #map}, {transform_indices = #map1}, {transform_indices = #map}, {transform_indices = #map2}, {transform_indices = #map2}]} {
    %mul3A = arith.constant 16 : i32
    %mul3A_0 = arith.muli %arg0, %mul3A : i32
    %add3A = arith.addi %mul3A_0, %arg1 : i32
    %mul3A_1 = arith.constant 78 : i32
    %mul3A_2 = arith.muli %mul3A_1, %add3A : i32
    %rem3A = arith.constant 0 : i32
    %rem3A_3 = arith.constant 3 : i32
    %rem3A_4 = arith.remsi %rem3A, %rem3A_3 : i32
    %add3A_5 = arith.constant 0 : i32
    %add3A_6 = arith.addi %mul3A_2, %add3A_5 : i32
    %mul3A_7 = arith.constant 128 : i32
    %mul3A_8 = arith.muli %add3A_6, %mul3A_7 : i32
    %dma_start3A = arith.constant 0 : i32
    %dma_start3A_9 = tpu.memref_slice %arg9[%rem3A_4, %dma_start3A] : memref<3x768xi32, #tpu.memory_space<vmem>> -> memref<1x768xi32, #tpu.memory_space<vmem>>
    %dma_start3A_10 = tpu.memref_squeeze %dma_start3A_9 : memref<1x768xi32, #tpu.memory_space<vmem>> -> memref<768xi32, #tpu.memory_space<vmem>>
    %dma_start3A_11 = tpu.memref_slice %arg3[%mul3A_8] : memref<640000xi32, #tpu.memory_space<hbm>> -> memref<768xi32, #tpu.memory_space<hbm>>
    %dma_start3A_12 = tpu.memref_slice %arg16[%rem3A_4] : memref<3x!tpu.dma_semaphore, #tpu.memory_space<semaphore_mem>> -> memref<1x!tpu.dma_semaphore, #tpu.memory_space<semaphore_mem>>
    %dma_start3A_13 = tpu.memref_squeeze %dma_start3A_12 : memref<1x!tpu.dma_semaphore, #tpu.memory_space<semaphore_mem>> -> memref<!tpu.dma_semaphore, #tpu.memory_space<semaphore_mem>>
    %dma_start3A_14 = arith.constant 0 : i32
    %dma_start3A_15 = tpu.memref_slice %arg9[%rem3A_4, %dma_start3A_14] : memref<3x768xi32, #tpu.memory_space<vmem>> -> memref<1x768xi32, #tpu.memory_space<vmem>>
    %dma_start3A_16 = tpu.memref_squeeze %dma_start3A_15 : memref<1x768xi32, #tpu.memory_space<vmem>> -> memref<768xi32, #tpu.memory_space<vmem>>
    %dma_start3A_17 = tpu.memref_slice %arg3[%mul3A_8] : memref<640000xi32, #tpu.memory_space<hbm>> -> memref<768xi32, #tpu.memory_space<hbm>>
    tpu.enqueue_dma source(%dma_start3A_17 : memref<768xi32, #tpu.memory_space<hbm>>) target(%dma_start3A_16 : memref<768xi32, #tpu.memory_space<vmem>>) target_semaphore(%dma_start3A_13 : memref<!tpu.dma_semaphore, #tpu.memory_space<semaphore_mem>>)
    %add3A_18 = arith.constant 320000 : i32
    %add3A_19 = arith.addi %add3A_18, %mul3A_8 : i32
    %dma_start3A_20 = arith.constant 0 : i32
    %dma_start3A_21 = tpu.memref_slice %arg10[%rem3A_4, %dma_start3A_20] : memref<3x768xi32, #tpu.memory_space<vmem>> -> memref<1x768xi32, #tpu.memory_space<vmem>>
    %dma_start3A_22 = tpu.memref_squeeze %dma_start3A_21 : memref<1x768xi32, #tpu.memory_space<vmem>> -> memref<768xi32, #tpu.memory_space<vmem>>
    %dma_start3A_23 = tpu.memref_slice %arg3[%add3A_19] : memref<640000xi32, #tpu.memory_space<hbm>> -> memref<768xi32, #tpu.memory_space<hbm>>
    %dma_start3A_24 = tpu.memref_slice %arg16[%rem3A_4] : memref<3x!tpu.dma_semaphore, #tpu.memory_space<semaphore_mem>> -> memref<1x!tpu.dma_semaphore, #tpu.memory_space<semaphore_mem>>
    %dma_start3A_25 = tpu.memref_squeeze %dma_start3A_24 : memref<1x!tpu.dma_semaphore, #tpu.memory_space<semaphore_mem>> -> memref<!tpu.dma_semaphore, #tpu.memory_space<semaphore_mem>>
    %dma_start3A_26 = arith.constant 0 : i32
    %dma_start3A_27 = tpu.memref_slice %arg10[%rem3A_4, %dma_start3A_26] : memref<3x768xi32, #tpu.memory_space<vmem>> -> memref<1x768xi32, #tpu.memory_space<vmem>>
    %dma_start3A_28 = tpu.memref_squeeze %dma_start3A_27 : memref<1x768xi32, #tpu.memory_space<vmem>> -> memref<768xi32, #tpu.memory_space<vmem>>
    %dma_start3A_29 = tpu.memref_slice %arg3[%add3A_19] : memref<640000xi32, #tpu.memory_space<hbm>> -> memref<768xi32, #tpu.memory_space<hbm>>
    tpu.enqueue_dma source(%dma_start3A_29 : memref<768xi32, #tpu.memory_space<hbm>>) target(%dma_start3A_28 : memref<768xi32, #tpu.memory_space<vmem>>) target_semaphore(%dma_start3A_25 : memref<!tpu.dma_semaphore, #tpu.memory_space<semaphore_mem>>)
    %broadcast_in_dim3A = arith.constant 0.000000e+00 : f32
    %broadcast_in_dim3A_30 = vector.broadcast %broadcast_in_dim3A : f32 to vector<16xf32>
    %dma_start3A_31 = arith.constant 0 : i32
    %dma_start3A_32 = arith.constant 0 : i32
    %dma_start3A_33 = arith.constant 0 : i32
    %dma_start3A_34 = tpu.memref_slice %arg4[%dma_start3A_32, %dma_start3A_33] : memref<207x8xf32, #tpu.memory_space<hbm>> -> memref<128x8xf32, #tpu.memory_space<hbm>>
    %dma_start3A_35 = tpu.memref_slice %arg15[%dma_start3A_31] : memref<2x!tpu.dma_semaphore, #tpu.memory_space<semaphore_mem>> -> memref<1x!tpu.dma_semaphore, #tpu.memory_space<semaphore_mem>>
    %dma_start3A_36 = tpu.memref_squeeze %dma_start3A_35 : memref<1x!tpu.dma_semaphore, #tpu.memory_space<semaphore_mem>> -> memref<!tpu.dma_semaphore, #tpu.memory_space<semaphore_mem>>
    %dma_start3A_37 = arith.constant 0 : i32
    %dma_start3A_38 = arith.constant 0 : i32
    %dma_start3A_39 = tpu.memref_slice %arg4[%dma_start3A_37, %dma_start3A_38] : memref<207x8xf32, #tpu.memory_space<hbm>> -> memref<128x8xf32, #tpu.memory_space<hbm>>
    tpu.enqueue_dma source(%dma_start3A_39 : memref<128x8xf32, #tpu.memory_space<hbm>>) target(%arg13 : memref<128x8xf32, #tpu.memory_space<vmem>>) target_semaphore(%dma_start3A_36 : memref<!tpu.dma_semaphore, #tpu.memory_space<semaphore_mem>>)
    %dma_start3A_40 = arith.constant 1 : i32
    %dma_start3A_41 = arith.constant 128 : i32
    %dma_start3A_42 = arith.constant 0 : i32
    %dma_start3A_43 = tpu.memref_slice %arg4[%dma_start3A_41, %dma_start3A_42] : memref<207x8xf32, #tpu.memory_space<hbm>> -> memref<79x8xf32, #tpu.memory_space<hbm>>
    %dma_start3A_44 = tpu.memref_slice %arg15[%dma_start3A_40] : memref<2x!tpu.dma_semaphore, #tpu.memory_space<semaphore_mem>> -> memref<1x!tpu.dma_semaphore, #tpu.memory_space<semaphore_mem>>
    %dma_start3A_45 = tpu.memref_squeeze %dma_start3A_44 : memref<1x!tpu.dma_semaphore, #tpu.memory_space<semaphore_mem>> -> memref<!tpu.dma_semaphore, #tpu.memory_space<semaphore_mem>>
    %dma_start3A_46 = arith.constant 128 : i32
    %dma_start3A_47 = arith.constant 0 : i32
    %dma_start3A_48 = tpu.memref_slice %arg4[%dma_start3A_46, %dma_start3A_47] : memref<207x8xf32, #tpu.memory_space<hbm>> -> memref<79x8xf32, #tpu.memory_space<hbm>>
    tpu.enqueue_dma source(%dma_start3A_48 : memref<79x8xf32, #tpu.memory_space<hbm>>) target(%arg14 : memref<79x8xf32, #tpu.memory_space<vmem>>) target_semaphore(%dma_start3A_45 : memref<!tpu.dma_semaphore, #tpu.memory_space<semaphore_mem>>)
    %scan3A = arith.constant 0 : i32
    %scan3A_49 = arith.constant 0 : i32
    %scan3A_50 = arith.constant 1024 : i32
    %scan3A_51 = arith.addi %scan3A_49, %scan3A_50 : i32
    %scan3A_52 = arith.constant 1 : i32
    %scan3A_53 = scf.for %scan3A_539 = %scan3A_49 to %scan3A_51 step %scan3A_52 iter_args(%scan3A_540 = %scan3A) -> (i32)  : i32 {
      %jit3A = arith.constant 8 : i32
      %div3A = arith.divsi %scan3A_539, %jit3A : i32
      %sign3A = arith.constant 0 : i32
      %sign3A_541 = arith.cmpi sgt, %scan3A_539, %sign3A : i32
      %sign3A_542 = arith.extui %sign3A_541 : i1 to i32
      %sign3A_543 = arith.constant 0 : i32
      %sign3A_544 = arith.cmpi slt, %scan3A_539, %sign3A_543 : i32
      %sign3A_545 = arith.extui %sign3A_544 : i1 to i32
      %sign3A_546 = arith.subi %sign3A_542, %sign3A_545 : i32
      %sign3A_547 = arith.constant 0 : i32
      %sign3A_548 = arith.cmpi sgt, %jit3A, %sign3A_547 : i32
      %sign3A_549 = arith.extui %sign3A_548 : i1 to i32
      %sign3A_550 = arith.constant 0 : i32
      %sign3A_551 = arith.cmpi slt, %jit3A, %sign3A_550 : i32
      %sign3A_552 = arith.extui %sign3A_551 : i1 to i32
      %sign3A_553 = arith.subi %sign3A_549, %sign3A_552 : i32
      %ne3A = arith.cmpi ne, %sign3A_546, %sign3A_553 : i32
      %rem3A_554 = arith.remsi %scan3A_539, %jit3A : i32
      %ne3A_555 = arith.constant 0 : i32
      %ne3A_556 = arith.cmpi ne, %rem3A_554, %ne3A_555 : i32
      %and3A = arith.andi %ne3A, %ne3A_556 : i1
      %sub3A = arith.constant 1 : i32
      %sub3A_557 = arith.subi %div3A, %sub3A : i32
      %select_n3A = arith.select %and3A, %sub3A_557, %div3A : i32
      %jit3A_558 = arith.constant 8 : i32
      %eq3A = arith.constant 0 : i32
      %eq3A_559 = arith.cmpi eq, %jit3A_558, %eq3A : i32
      %jit3A_560 = arith.constant 1 : i32
      %select_n3A_561 = arith.select %eq3A_559, %jit3A_560, %jit3A_558 : i32
      %rem3A_562 = arith.remsi %scan3A_539, %select_n3A_561 : i32
      %ne3A_563 = arith.constant 0 : i32
      %ne3A_564 = arith.cmpi ne, %rem3A_562, %ne3A_563 : i32
      %lt3A_565 = arith.constant 0 : i32
      %lt3A_566 = arith.cmpi slt, %rem3A_562, %lt3A_565 : i32
      %lt3A_567 = arith.constant 0 : i32
      %lt3A_568 = arith.cmpi slt, %select_n3A_561, %lt3A_567 : i32
      %ne3A_569 = arith.xori %lt3A_566, %lt3A_568 : i1
      %and3A_570 = arith.andi %ne3A_569, %ne3A_564 : i1
      %add3A_571 = arith.addi %rem3A_562, %select_n3A_561 : i32
      %select_n3A_572 = arith.select %and3A_570, %add3A_571, %rem3A_562 : i32
      %mul3A_573 = arith.constant 16 : i32
      %mul3A_574 = arith.muli %select_n3A_572, %mul3A_573 : i32
      %swap3A = arith.constant 0 : i32
      %swap3A_575 = arith.index_cast %swap3A : i32 to index
      %swap3A_576 = arith.index_cast %select_n3A : i32 to index
      %swap3A_577 = arith.index_cast %mul3A_574 : i32 to index
      %swap3A_578 = tpu.vector_load %arg12[%swap3A_575, %swap3A_576, %swap3A_577] {strides = array<i32>} : memref<2x128x128xf32, #tpu.memory_space<vmem>>, vector<1x1x16xf32>,
      %swap3A_579 = vector.shape_cast %swap3A_578 : vector<1x1x16xf32> to vector<16xf32>
      %swap3A_580 = vector.shape_cast %broadcast_in_dim3A_30 : vector<16xf32> to vector<1x1x16xf32>
      tpu.vector_store %arg12[%swap3A_575, %swap3A_576, %swap3A_577], %swap3A_580 {strides = array<i32>} : memref<2x128x128xf32, #tpu.memory_space<vmem>>, vector<1x1x16xf32>,
      %scan3A_581 = arith.constant 0 : i32
      scf.yield %scan3A_581 : i32
    }
    %scan3A_54 = arith.constant 1024 : i32
    %dma_wait3A = arith.constant 0 : i32
    %dma_wait3A_55 = arith.constant 0 : i32
    %dma_wait3A_56 = arith.constant 0 : i32
    %dma_wait3A_57 = tpu.memref_slice %arg4[%dma_wait3A_55, %dma_wait3A_56] : memref<207x8xf32, #tpu.memory_space<hbm>> -> memref<128x8xf32, #tpu.memory_space<hbm>>
    %dma_wait3A_58 = tpu.memref_slice %arg15[%dma_wait3A] : memref<2x!tpu.dma_semaphore, #tpu.memory_space<semaphore_mem>> -> memref<1x!tpu.dma_semaphore, #tpu.memory_space<semaphore_mem>>
    %dma_wait3A_59 = tpu.memref_squeeze %dma_wait3A_58 : memref<1x!tpu.dma_semaphore, #tpu.memory_space<semaphore_mem>> -> memref<!tpu.dma_semaphore, #tpu.memory_space<semaphore_mem>>
    %dma_wait3A_60 = arith.constant 0 : i32
    %dma_wait3A_61 = arith.constant 0 : i32
    %dma_wait3A_62 = tpu.memref_slice %arg4[%dma_wait3A_60, %dma_wait3A_61] : memref<207x8xf32, #tpu.memory_space<hbm>> -> memref<128x8xf32, #tpu.memory_space<hbm>>
    tpu.wait_dma2 semaphore(%dma_wait3A_59 : memref<!tpu.dma_semaphore, #tpu.memory_space<semaphore_mem>>) src(%dma_wait3A_62 : memref<128x8xf32, #tpu.memory_space<hbm>>) dst(%arg13 : memref<128x8xf32, #tpu.memory_space<vmem>>)
    %dma_wait3A_63 = arith.constant 1 : i32
    %dma_wait3A_64 = arith.constant 128 : i32
    %dma_wait3A_65 = arith.constant 0 : i32
    %dma_wait3A_66 = tpu.memref_slice %arg4[%dma_wait3A_64, %dma_wait3A_65] : memref<207x8xf32, #tpu.memory_space<hbm>> -> memref<79x8xf32, #tpu.memory_space<hbm>>
    %dma_wait3A_67 = tpu.memref_slice %arg15[%dma_wait3A_63] : memref<2x!tpu.dma_semaphore, #tpu.memory_space<semaphore_mem>> -> memref<1x!tpu.dma_semaphore, #tpu.memory_space<semaphore_mem>>
    %dma_wait3A_68 = tpu.memref_squeeze %dma_wait3A_67 : memref<1x!tpu.dma_semaphore, #tpu.memory_space<semaphore_mem>> -> memref<!tpu.dma_semaphore, #tpu.memory_space<semaphore_mem>>
    %dma_wait3A_69 = arith.constant 128 : i32
    %dma_wait3A_70 = arith.constant 0 : i32
    %dma_wait3A_71 = tpu.memref_slice %arg4[%dma_wait3A_69, %dma_wait3A_70] : memref<207x8xf32, #tpu.memory_space<hbm>> -> memref<79x8xf32, #tpu.memory_space<hbm>>
    tpu.wait_dma2 semaphore(%dma_wait3A_68 : memref<!tpu.dma_semaphore, #tpu.memory_space<semaphore_mem>>) src(%dma_wait3A_71 : memref<79x8xf32, #tpu.memory_space<hbm>>) dst(%arg14 : memref<79x8xf32, #tpu.memory_space<vmem>>)
    %mul3A_72 = arith.constant 632 : i32
    %mul3A_73 = arith.muli %arg1, %mul3A_72 : i32
    %add3A_74 = arith.constant 0 : i32
    %add3A_75 = arith.addi %mul3A_73, %add3A_74 : i32
    %dma_start3A_76 = arith.constant 0 : i32
    %dma_start3A_77 = arith.constant 0 : i32
    %dma_start3A_78 = arith.constant 0 : i32
    %dma_start3A_79 = arith.constant 0 : i32
    %dma_start3A_80 = tpu.memref_slice %arg12[%dma_start3A_76, %dma_start3A_78, %dma_start3A_79] : memref<2x128x128xf32, #tpu.memory_space<vmem>> -> memref<1x128x128xf32, #tpu.memory_space<vmem>>
    %dma_start3A_81 = tpu.memref_squeeze %dma_start3A_80 : memref<1x128x128xf32, #tpu.memory_space<vmem>> -> memref<128x128xf32, #tpu.memory_space<vmem>>
    %dma_start3A_82 = arith.constant 0 : i32
    %dma_start3A_83 = tpu.memref_slice %arg7[%add3A_75, %dma_start3A_82] : memref<10112x128xf32, #tpu.memory_space<vmem_shared>> -> memref<128x128xf32, #tpu.memory_space<vmem_shared>>
    %dma_start3A_84 = tpu.memref_slice %arg17[%dma_start3A_77] : memref<2x!tpu.dma_semaphore, #tpu.memory_space<semaphore_mem>> -> memref<1x!tpu.dma_semaphore, #tpu.memory_space<semaphore_mem>>
    %dma_start3A_85 = tpu.memref_squeeze %dma_start3A_84 : memref<1x!tpu.dma_semaphore, #tpu.memory_space<semaphore_mem>> -> memref<!tpu.dma_semaphore, #tpu.memory_space<semaphore_mem>>
    %dma_start3A_86 = arith.constant 0 : i32
    %dma_start3A_87 = tpu.memref_slice %arg7[%add3A_75, %dma_start3A_86] : memref<10112x128xf32, #tpu.memory_space<vmem_shared>> -> memref<128x128xf32, #tpu.memory_space<vmem_shared>>
    %dma_start3A_88 = arith.constant 0 : i32
    %dma_start3A_89 = arith.constant 0 : i32
    %dma_start3A_90 = tpu.memref_slice %arg12[%dma_start3A_76, %dma_start3A_88, %dma_start3A_89] : memref<2x128x128xf32, #tpu.memory_space<vmem>> -> memref<1x128x128xf32, #tpu.memory_space<vmem>>
    %dma_start3A_91 = tpu.memref_squeeze %dma_start3A_90 : memref<1x128x128xf32, #tpu.memory_space<vmem>> -> memref<128x128xf32, #tpu.memory_space<vmem>>
    tpu.enqueue_dma source(%dma_start3A_91 : memref<128x128xf32, #tpu.memory_space<vmem>>) target(%dma_start3A_87 : memref<128x128xf32, #tpu.memory_space<vmem_shared>>) target_semaphore(%dma_start3A_85 : memref<!tpu.dma_semaphore, #tpu.memory_space<semaphore_mem>>)
    %add3A_92 = arith.constant 128 : i32
    %add3A_93 = arith.addi %mul3A_73, %add3A_92 : i32
    %dma_start3A_94 = arith.constant 0 : i32
    %dma_start3A_95 = arith.constant 0 : i32
    %dma_start3A_96 = arith.constant 0 : i32
    %dma_start3A_97 = arith.constant 0 : i32
    %dma_start3A_98 = tpu.memref_slice %arg12[%dma_start3A_94, %dma_start3A_96, %dma_start3A_97] : memref<2x128x128xf32, #tpu.memory_space<vmem>> -> memref<1x128x128xf32, #tpu.memory_space<vmem>>
    %dma_start3A_99 = tpu.memref_squeeze %dma_start3A_98 : memref<1x128x128xf32, #tpu.memory_space<vmem>> -> memref<128x128xf32, #tpu.memory_space<vmem>>
    %dma_start3A_100 = arith.constant 0 : i32
    %dma_start3A_101 = tpu.memref_slice %arg7[%add3A_93, %dma_start3A_100] : memref<10112x128xf32, #tpu.memory_space<vmem_shared>> -> memref<128x128xf32, #tpu.memory_space<vmem_shared>>
    %dma_start3A_102 = tpu.memref_slice %arg17[%dma_start3A_95] : memref<2x!tpu.dma_semaphore, #tpu.memory_space<semaphore_mem>> -> memref<1x!tpu.dma_semaphore, #tpu.memory_space<semaphore_mem>>
    %dma_start3A_103 = tpu.memref_squeeze %dma_start3A_102 : memref<1x!tpu.dma_semaphore, #tpu.memory_space<semaphore_mem>> -> memref<!tpu.dma_semaphore, #tpu.memory_space<semaphore_mem>>
    %dma_start3A_104 = arith.constant 0 : i32
    %dma_start3A_105 = tpu.memref_slice %arg7[%add3A_93, %dma_start3A_104] : memref<10112x128xf32, #tpu.memory_space<vmem_shared>> -> memref<128x128xf32, #tpu.memory_space<vmem_shared>>
    %dma_start3A_106 = arith.constant 0 : i32
    %dma_start3A_107 = arith.constant 0 : i32
    %dma_start3A_108 = tpu.memref_slice %arg12[%dma_start3A_94, %dma_start3A_106, %dma_start3A_107] : memref<2x128x128xf32, #tpu.memory_space<vmem>> -> memref<1x128x128xf32, #tpu.memory_space<vmem>>
    %dma_start3A_109 = tpu.memref_squeeze %dma_start3A_108 : memref<1x128x128xf32, #tpu.memory_space<vmem>> -> memref<128x128xf32, #tpu.memory_space<vmem>>
    tpu.enqueue_dma source(%dma_start3A_109 : memref<128x128xf32, #tpu.memory_space<vmem>>) target(%dma_start3A_105 : memref<128x128xf32, #tpu.memory_space<vmem_shared>>) target_semaphore(%dma_start3A_103 : memref<!tpu.dma_semaphore, #tpu.memory_space<semaphore_mem>>)
    %add3A_110 = arith.constant 256 : i32
    %add3A_111 = arith.addi %mul3A_73, %add3A_110 : i32
    %dma_start3A_112 = arith.constant 0 : i32
    %dma_start3A_113 = arith.constant 0 : i32
    %dma_start3A_114 = arith.constant 0 : i32
    %dma_start3A_115 = arith.constant 0 : i32
    %dma_start3A_116 = tpu.memref_slice %arg12[%dma_start3A_112, %dma_start3A_114, %dma_start3A_115] : memref<2x128x128xf32, #tpu.memory_space<vmem>> -> memref<1x128x128xf32, #tpu.memory_space<vmem>>
    %dma_start3A_117 = tpu.memref_squeeze %dma_start3A_116 : memref<1x128x128xf32, #tpu.memory_space<vmem>> -> memref<128x128xf32, #tpu.memory_space<vmem>>
    %dma_start3A_118 = arith.constant 0 : i32
    %dma_start3A_119 = tpu.memref_slice %arg7[%add3A_111, %dma_start3A_118] : memref<10112x128xf32, #tpu.memory_space<vmem_shared>> -> memref<128x128xf32, #tpu.memory_space<vmem_shared>>
    %dma_start3A_120 = tpu.memref_slice %arg17[%dma_start3A_113] : memref<2x!tpu.dma_semaphore, #tpu.memory_space<semaphore_mem>> -> memref<1x!tpu.dma_semaphore, #tpu.memory_space<semaphore_mem>>
    %dma_start3A_121 = tpu.memref_squeeze %dma_start3A_120 : memref<1x!tpu.dma_semaphore, #tpu.memory_space<semaphore_mem>> -> memref<!tpu.dma_semaphore, #tpu.memory_space<semaphore_mem>>
    %dma_start3A_122 = arith.constant 0 : i32
    %dma_start3A_123 = tpu.memref_slice %arg7[%add3A_111, %dma_start3A_122] : memref<10112x128xf32, #tpu.memory_space<vmem_shared>> -> memref<128x128xf32, #tpu.memory_space<vmem_shared>>
    %dma_start3A_124 = arith.constant 0 : i32
    %dma_start3A_125 = arith.constant 0 : i32
    %dma_start3A_126 = tpu.memref_slice %arg12[%dma_start3A_112, %dma_start3A_124, %dma_start3A_125] : memref<2x128x128xf32, #tpu.memory_space<vmem>> -> memref<1x128x128xf32, #tpu.memory_space<vmem>>
    %dma_start3A_127 = tpu.memref_squeeze %dma_start3A_126 : memref<1x128x128xf32, #tpu.memory_space<vmem>> -> memref<128x128xf32, #tpu.memory_space<vmem>>
    tpu.enqueue_dma source(%dma_start3A_127 : memref<128x128xf32, #tpu.memory_space<vmem>>) target(%dma_start3A_123 : memref<128x128xf32, #tpu.memory_space<vmem_shared>>) target_semaphore(%dma_start3A_121 : memref<!tpu.dma_semaphore, #tpu.memory_space<semaphore_mem>>)
    %add3A_128 = arith.constant 384 : i32
    %add3A_129 = arith.addi %mul3A_73, %add3A_128 : i32
    %dma_start3A_130 = arith.constant 0 : i32
    %dma_start3A_131 = arith.constant 0 : i32
    %dma_start3A_132 = arith.constant 0 : i32
    %dma_start3A_133 = arith.constant 0 : i32
    %dma_start3A_134 = tpu.memref_slice %arg12[%dma_start3A_130, %dma_start3A_132, %dma_start3A_133] : memref<2x128x128xf32, #tpu.memory_space<vmem>> -> memref<1x128x128xf32, #tpu.memory_space<vmem>>
    %dma_start3A_135 = tpu.memref_squeeze %dma_start3A_134 : memref<1x128x128xf32, #tpu.memory_space<vmem>> -> memref<128x128xf32, #tpu.memory_space<vmem>>
    %dma_start3A_136 = arith.constant 0 : i32
    %dma_start3A_137 = tpu.memref_slice %arg7[%add3A_129, %dma_start3A_136] : memref<10112x128xf32, #tpu.memory_space<vmem_shared>> -> memref<128x128xf32, #tpu.memory_space<vmem_shared>>
    %dma_start3A_138 = tpu.memref_slice %arg17[%dma_start3A_131] : memref<2x!tpu.dma_semaphore, #tpu.memory_space<semaphore_mem>> -> memref<1x!tpu.dma_semaphore, #tpu.memory_space<semaphore_mem>>
    %dma_start3A_139 = tpu.memref_squeeze %dma_start3A_138 : memref<1x!tpu.dma_semaphore, #tpu.memory_space<semaphore_mem>> -> memref<!tpu.dma_semaphore, #tpu.memory_space<semaphore_mem>>
    %dma_start3A_140 = arith.constant 0 : i32
    %dma_start3A_141 = tpu.memref_slice %arg7[%add3A_129, %dma_start3A_140] : memref<10112x128xf32, #tpu.memory_space<vmem_shared>> -> memref<128x128xf32, #tpu.memory_space<vmem_shared>>
    %dma_start3A_142 = arith.constant 0 : i32
    %dma_start3A_143 = arith.constant 0 : i32
    %dma_start3A_144 = tpu.memref_slice %arg12[%dma_start3A_130, %dma_start3A_142, %dma_start3A_143] : memref<2x128x128xf32, #tpu.memory_space<vmem>> -> memref<1x128x128xf32, #tpu.memory_space<vmem>>
    %dma_start3A_145 = tpu.memref_squeeze %dma_start3A_144 : memref<1x128x128xf32, #tpu.memory_space<vmem>> -> memref<128x128xf32, #tpu.memory_space<vmem>>
    tpu.enqueue_dma source(%dma_start3A_145 : memref<128x128xf32, #tpu.memory_space<vmem>>) target(%dma_start3A_141 : memref<128x128xf32, #tpu.memory_space<vmem_shared>>) target_semaphore(%dma_start3A_139 : memref<!tpu.dma_semaphore, #tpu.memory_space<semaphore_mem>>)
    %add3A_146 = arith.constant 512 : i32
    %add3A_147 = arith.addi %mul3A_73, %add3A_146 : i32
    %dma_start3A_148 = arith.constant 0 : i32
    %dma_start3A_149 = arith.constant 0 : i32
    %dma_start3A_150 = arith.constant 0 : i32
    %dma_start3A_151 = arith.constant 0 : i32
    %dma_start3A_152 = tpu.memref_slice %arg12[%dma_start3A_148, %dma_start3A_150, %dma_start3A_151] : memref<2x128x128xf32, #tpu.memory_space<vmem>> -> memref<1x120x128xf32, #tpu.memory_space<vmem>>
    %dma_start3A_153 = tpu.memref_squeeze %dma_start3A_152 : memref<1x120x128xf32, #tpu.memory_space<vmem>> -> memref<120x128xf32, #tpu.memory_space<vmem>>
    %dma_start3A_154 = arith.constant 0 : i32
    %dma_start3A_155 = tpu.memref_slice %arg7[%add3A_147, %dma_start3A_154] : memref<10112x128xf32, #tpu.memory_space<vmem_shared>> -> memref<120x128xf32, #tpu.memory_space<vmem_shared>>
    %dma_start3A_156 = tpu.memref_slice %arg17[%dma_start3A_149] : memref<2x!tpu.dma_semaphore, #tpu.memory_space<semaphore_mem>> -> memref<1x!tpu.dma_semaphore, #tpu.memory_space<semaphore_mem>>
    %dma_start3A_157 = tpu.memref_squeeze %dma_start3A_156 : memref<1x!tpu.dma_semaphore, #tpu.memory_space<semaphore_mem>> -> memref<!tpu.dma_semaphore, #tpu.memory_space<semaphore_mem>>
    %dma_start3A_158 = arith.constant 0 : i32
    %dma_start3A_159 = tpu.memref_slice %arg7[%add3A_147, %dma_start3A_158] : memref<10112x128xf32, #tpu.memory_space<vmem_shared>> -> memref<120x128xf32, #tpu.memory_space<vmem_shared>>
    %dma_start3A_160 = arith.constant 0 : i32
    %dma_start3A_161 = arith.constant 0 : i32
    %dma_start3A_162 = tpu.memref_slice %arg12[%dma_start3A_148, %dma_start3A_160, %dma_start3A_161] : memref<2x128x128xf32, #tpu.memory_space<vmem>> -> memref<1x120x128xf32, #tpu.memory_space<vmem>>
    %dma_start3A_163 = tpu.memref_squeeze %dma_start3A_162 : memref<1x120x128xf32, #tpu.memory_space<vmem>> -> memref<120x128xf32, #tpu.memory_space<vmem>>
    tpu.enqueue_dma source(%dma_start3A_163 : memref<120x128xf32, #tpu.memory_space<vmem>>) target(%dma_start3A_159 : memref<120x128xf32, #tpu.memory_space<vmem_shared>>) target_semaphore(%dma_start3A_157 : memref<!tpu.dma_semaphore, #tpu.memory_space<semaphore_mem>>)
    %add3A_164 = arith.constant 0 : i32
    %add3A_165 = arith.addi %mul3A_73, %add3A_164 : i32
    %dma_start3A_166 = arith.constant 1 : i32
    %dma_start3A_167 = arith.constant 0 : i32
    %dma_start3A_168 = tpu.memref_slice %arg8[%add3A_165, %dma_start3A_167] : memref<10112x8xf32, #tpu.memory_space<vmem_shared>> -> memref<79x8xf32, #tpu.memory_space<vmem_shared>>
    %dma_start3A_169 = tpu.memref_slice %arg17[%dma_start3A_166] : memref<2x!tpu.dma_semaphore, #tpu.memory_space<semaphore_mem>> -> memref<1x!tpu.dma_semaphore, #tpu.memory_space<semaphore_mem>>
    %dma_start3A_170 = tpu.memref_squeeze %dma_start3A_169 : memref<1x!tpu.dma_semaphore, #tpu.memory_space<semaphore_mem>> -> memref<!tpu.dma_semaphore, #tpu.memory_space<semaphore_mem>>
    %dma_start3A_171 = arith.constant 0 : i32
    %dma_start3A_172 = tpu.memref_slice %arg8[%add3A_165, %dma_start3A_171] : memref<10112x8xf32, #tpu.memory_space<vmem_shared>> -> memref<79x8xf32, #tpu.memory_space<vmem_shared>>
    tpu.enqueue_dma source(%arg14 : memref<79x8xf32, #tpu.memory_space<vmem>>) target(%dma_start3A_172 : memref<79x8xf32, #tpu.memory_space<vmem_shared>>) target_semaphore(%dma_start3A_170 : memref<!tpu.dma_semaphore, #tpu.memory_space<semaphore_mem>>)
    %add3A_173 = arith.constant 79 : i32
    %add3A_174 = arith.addi %mul3A_73, %add3A_173 : i32
    %dma_start3A_175 = arith.constant 1 : i32
    %dma_start3A_176 = arith.constant 0 : i32
    %dma_start3A_177 = tpu.memref_slice %arg8[%add3A_174, %dma_start3A_176] : memref<10112x8xf32, #tpu.memory_space<vmem_shared>> -> memref<79x8xf32, #tpu.memory_space<vmem_shared>>
    %dma_start3A_178 = tpu.memref_slice %arg17[%dma_start3A_175] : memref<2x!tpu.dma_semaphore, #tpu.memory_space<semaphore_mem>> -> memref<1x!tpu.dma_semaphore, #tpu.memory_space<semaphore_mem>>
    %dma_start3A_179 = tpu.memref_squeeze %dma_start3A_178 : memref<1x!tpu.dma_semaphore, #tpu.memory_space<semaphore_mem>> -> memref<!tpu.dma_semaphore, #tpu.memory_space<semaphore_mem>>
    %dma_start3A_180 = arith.constant 0 : i32
    %dma_start3A_181 = tpu.memref_slice %arg8[%add3A_174, %dma_start3A_180] : memref<10112x8xf32, #tpu.memory_space<vmem_shared>> -> memref<79x8xf32, #tpu.memory_space<vmem_shared>>
    tpu.enqueue_dma source(%arg14 : memref<79x8xf32, #tpu.memory_space<vmem>>) target(%dma_start3A_181 : memref<79x8xf32, #tpu.memory_space<vmem_shared>>) target_semaphore(%dma_start3A_179 : memref<!tpu.dma_semaphore, #tpu.memory_space<semaphore_mem>>)
    %add3A_182 = arith.constant 158 : i32
    %add3A_183 = arith.addi %mul3A_73, %add3A_182 : i32
    %dma_start3A_184 = arith.constant 1 : i32
    %dma_start3A_185 = arith.constant 0 : i32
    %dma_start3A_186 = tpu.memref_slice %arg8[%add3A_183, %dma_start3A_185] : memref<10112x8xf32, #tpu.memory_space<vmem_shared>> -> memref<79x8xf32, #tpu.memory_space<vmem_shared>>
    %dma_start3A_187 = tpu.memref_slice %arg17[%dma_start3A_184] : memref<2x!tpu.dma_semaphore, #tpu.memory_space<semaphore_mem>> -> memref<1x!tpu.dma_semaphore, #tpu.memory_space<semaphore_mem>>
    %dma_start3A_188 = tpu.memref_squeeze %dma_start3A_187 : memref<1x!tpu.dma_semaphore, #tpu.memory_space<semaphore_mem>> -> memref<!tpu.dma_semaphore, #tpu.memory_space<semaphore_mem>>
    %dma_start3A_189 = arith.constant 0 : i32
    %dma_start3A_190 = tpu.memref_slice %arg8[%add3A_183, %dma_start3A_189] : memref<10112x8xf32, #tpu.memory_space<vmem_shared>> -> memref<79x8xf32, #tpu.memory_space<vmem_shared>>
    tpu.enqueue_dma source(%arg14 : memref<79x8xf32, #tpu.memory_space<vmem>>) target(%dma_start3A_190 : memref<79x8xf32, #tpu.memory_space<vmem_shared>>) target_semaphore(%dma_start3A_188 : memref<!tpu.dma_semaphore, #tpu.memory_space<semaphore_mem>>)
    %add3A_191 = arith.constant 237 : i32
    %add3A_192 = arith.addi %mul3A_73, %add3A_191 : i32
    %dma_start3A_193 = arith.constant 1 : i32
    %dma_start3A_194 = arith.constant 0 : i32
    %dma_start3A_195 = tpu.memref_slice %arg8[%add3A_192, %dma_start3A_194] : memref<10112x8xf32, #tpu.memory_space<vmem_shared>> -> memref<79x8xf32, #tpu.memory_space<vmem_shared>>
    %dma_start3A_196 = tpu.memref_slice %arg17[%dma_start3A_193] : memref<2x!tpu.dma_semaphore, #tpu.memory_space<semaphore_mem>> -> memref<1x!tpu.dma_semaphore, #tpu.memory_space<semaphore_mem>>
    %dma_start3A_197 = tpu.memref_squeeze %dma_start3A_196 : memref<1x!tpu.dma_semaphore, #tpu.memory_space<semaphore_mem>> -> memref<!tpu.dma_semaphore, #tpu.memory_space<semaphore_mem>>
    %dma_start3A_198 = arith.constant 0 : i32
    %dma_start3A_199 = tpu.memref_slice %arg8[%add3A_192, %dma_start3A_198] : memref<10112x8xf32, #tpu.memory_space<vmem_shared>> -> memref<79x8xf32, #tpu.memory_space<vmem_shared>>
    tpu.enqueue_dma source(%arg14 : memref<79x8xf32, #tpu.memory_space<vmem>>) target(%dma_start3A_199 : memref<79x8xf32, #tpu.memory_space<vmem_shared>>) target_semaphore(%dma_start3A_197 : memref<!tpu.dma_semaphore, #tpu.memory_space<semaphore_mem>>)
    %add3A_200 = arith.constant 316 : i32
    %add3A_201 = arith.addi %mul3A_73, %add3A_200 : i32
    %dma_start3A_202 = arith.constant 1 : i32
    %dma_start3A_203 = arith.constant 0 : i32
    %dma_start3A_204 = tpu.memref_slice %arg8[%add3A_201, %dma_start3A_203] : memref<10112x8xf32, #tpu.memory_space<vmem_shared>> -> memref<79x8xf32, #tpu.memory_space<vmem_shared>>
    %dma_start3A_205 = tpu.memref_slice %arg17[%dma_start3A_202] : memref<2x!tpu.dma_semaphore, #tpu.memory_space<semaphore_mem>> -> memref<1x!tpu.dma_semaphore, #tpu.memory_space<semaphore_mem>>
    %dma_start3A_206 = tpu.memref_squeeze %dma_start3A_205 : memref<1x!tpu.dma_semaphore, #tpu.memory_space<semaphore_mem>> -> memref<!tpu.dma_semaphore, #tpu.memory_space<semaphore_mem>>
    %dma_start3A_207 = arith.constant 0 : i32
    %dma_start3A_208 = tpu.memref_slice %arg8[%add3A_201, %dma_start3A_207] : memref<10112x8xf32, #tpu.memory_space<vmem_shared>> -> memref<79x8xf32, #tpu.memory_space<vmem_shared>>
    tpu.enqueue_dma source(%arg14 : memref<79x8xf32, #tpu.memory_space<vmem>>) target(%dma_start3A_208 : memref<79x8xf32, #tpu.memory_space<vmem_shared>>) target_semaphore(%dma_start3A_206 : memref<!tpu.dma_semaphore, #tpu.memory_space<semaphore_mem>>)
    %add3A_209 = arith.constant 395 : i32
    %add3A_210 = arith.addi %mul3A_73, %add3A_209 : i32
    %dma_start3A_211 = arith.constant 1 : i32
    %dma_start3A_212 = arith.constant 0 : i32
    %dma_start3A_213 = tpu.memref_slice %arg8[%add3A_210, %dma_start3A_212] : memref<10112x8xf32, #tpu.memory_space<vmem_shared>> -> memref<79x8xf32, #tpu.memory_space<vmem_shared>>
    %dma_start3A_214 = tpu.memref_slice %arg17[%dma_start3A_211] : memref<2x!tpu.dma_semaphore, #tpu.memory_space<semaphore_mem>> -> memref<1x!tpu.dma_semaphore, #tpu.memory_space<semaphore_mem>>
    %dma_start3A_215 = tpu.memref_squeeze %dma_start3A_214 : memref<1x!tpu.dma_semaphore, #tpu.memory_space<semaphore_mem>> -> memref<!tpu.dma_semaphore, #tpu.memory_space<semaphore_mem>>
    %dma_start3A_216 = arith.constant 0 : i32
    %dma_start3A_217 = tpu.memref_slice %arg8[%add3A_210, %dma_start3A_216] : memref<10112x8xf32, #tpu.memory_space<vmem_shared>> -> memref<79x8xf32, #tpu.memory_space<vmem_shared>>
    tpu.enqueue_dma source(%arg14 : memref<79x8xf32, #tpu.memory_space<vmem>>) target(%dma_start3A_217 : memref<79x8xf32, #tpu.memory_space<vmem_shared>>) target_semaphore(%dma_start3A_215 : memref<!tpu.dma_semaphore, #tpu.memory_space<semaphore_mem>>)
    %add3A_218 = arith.constant 474 : i32
    %add3A_219 = arith.addi %mul3A_73, %add3A_218 : i32
    %dma_start3A_220 = arith.constant 1 : i32
    %dma_start3A_221 = arith.constant 0 : i32
    %dma_start3A_222 = tpu.memref_slice %arg8[%add3A_219, %dma_start3A_221] : memref<10112x8xf32, #tpu.memory_space<vmem_shared>> -> memref<79x8xf32, #tpu.memory_space<vmem_shared>>
    %dma_start3A_223 = tpu.memref_slice %arg17[%dma_start3A_220] : memref<2x!tpu.dma_semaphore, #tpu.memory_space<semaphore_mem>> -> memref<1x!tpu.dma_semaphore, #tpu.memory_space<semaphore_mem>>
    %dma_start3A_224 = tpu.memref_squeeze %dma_start3A_223 : memref<1x!tpu.dma_semaphore, #tpu.memory_space<semaphore_mem>> -> memref<!tpu.dma_semaphore, #tpu.memory_space<semaphore_mem>>
    %dma_start3A_225 = arith.constant 0 : i32
    %dma_start3A_226 = tpu.memref_slice %arg8[%add3A_219, %dma_start3A_225] : memref<10112x8xf32, #tpu.memory_space<vmem_shared>> -> memref<79x8xf32, #tpu.memory_space<vmem_shared>>
    tpu.enqueue_dma source(%arg14 : memref<79x8xf32, #tpu.memory_space<vmem>>) target(%dma_start3A_226 : memref<79x8xf32, #tpu.memory_space<vmem_shared>>) target_semaphore(%dma_start3A_224 : memref<!tpu.dma_semaphore, #tpu.memory_space<semaphore_mem>>)
    %add3A_227 = arith.constant 553 : i32
    %add3A_228 = arith.addi %mul3A_73, %add3A_227 : i32
    %dma_start3A_229 = arith.constant 1 : i32
    %dma_start3A_230 = arith.constant 0 : i32
    %dma_start3A_231 = tpu.memref_slice %arg8[%add3A_228, %dma_start3A_230] : memref<10112x8xf32, #tpu.memory_space<vmem_shared>> -> memref<79x8xf32, #tpu.memory_space<vmem_shared>>
    %dma_start3A_232 = tpu.memref_slice %arg17[%dma_start3A_229] : memref<2x!tpu.dma_semaphore, #tpu.memory_space<semaphore_mem>> -> memref<1x!tpu.dma_semaphore, #tpu.memory_space<semaphore_mem>>
    %dma_start3A_233 = tpu.memref_squeeze %dma_start3A_232 : memref<1x!tpu.dma_semaphore, #tpu.memory_space<semaphore_mem>> -> memref<!tpu.dma_semaphore, #tpu.memory_space<semaphore_mem>>
    %dma_start3A_234 = arith.constant 0 : i32
    %dma_start3A_235 = tpu.memref_slice %arg8[%add3A_228, %dma_start3A_234] : memref<10112x8xf32, #tpu.memory_space<vmem_shared>> -> memref<79x8xf32, #tpu.memory_space<vmem_shared>>
    tpu.enqueue_dma source(%arg14 : memref<79x8xf32, #tpu.memory_space<vmem>>) target(%dma_start3A_235 : memref<79x8xf32, #tpu.memory_space<vmem_shared>>) target_semaphore(%dma_start3A_233 : memref<!tpu.dma_semaphore, #tpu.memory_space<semaphore_mem>>)
    %add3A_236 = arith.constant 0 : i32
    %add3A_237 = arith.addi %mul3A_73, %add3A_236 : i32
    %dma_wait3A_238 = arith.constant 0 : i32
    %dma_wait3A_239 = arith.constant 0 : i32
    %dma_wait3A_240 = arith.constant 0 : i32
    %dma_wait3A_241 = arith.constant 0 : i32
    %dma_wait3A_242 = tpu.memref_slice %arg12[%dma_wait3A_238, %dma_wait3A_240, %dma_wait3A_241] : memref<2x128x128xf32, #tpu.memory_space<vmem>> -> memref<1x128x128xf32, #tpu.memory_space<vmem>>
    %dma_wait3A_243 = tpu.memref_squeeze %dma_wait3A_242 : memref<1x128x128xf32, #tpu.memory_space<vmem>> -> memref<128x128xf32, #tpu.memory_space<vmem>>
    %dma_wait3A_244 = arith.constant 0 : i32
    %dma_wait3A_245 = tpu.memref_slice %arg7[%add3A_237, %dma_wait3A_244] : memref<10112x128xf32, #tpu.memory_space<vmem_shared>> -> memref<128x128xf32, #tpu.memory_space<vmem_shared>>
    %dma_wait3A_246 = tpu.memref_slice %arg17[%dma_wait3A_239] : memref<2x!tpu.dma_semaphore, #tpu.memory_space<semaphore_mem>> -> memref<1x!tpu.dma_semaphore, #tpu.memory_space<semaphore_mem>>
    %dma_wait3A_247 = tpu.memref_squeeze %dma_wait3A_246 : memref<1x!tpu.dma_semaphore, #tpu.memory_space<semaphore_mem>> -> memref<!tpu.dma_semaphore, #tpu.memory_space<semaphore_mem>>
    %dma_wait3A_248 = arith.constant 0 : i32
    %dma_wait3A_249 = tpu.memref_slice %arg7[%add3A_237, %dma_wait3A_248] : memref<10112x128xf32, #tpu.memory_space<vmem_shared>> -> memref<128x128xf32, #tpu.memory_space<vmem_shared>>
    %dma_wait3A_250 = arith.constant 0 : i32
    %dma_wait3A_251 = arith.constant 0 : i32
    %dma_wait3A_252 = tpu.memref_slice %arg12[%dma_wait3A_238, %dma_wait3A_250, %dma_wait3A_251] : memref<2x128x128xf32, #tpu.memory_space<vmem>> -> memref<1x128x128xf32, #tpu.memory_space<vmem>>
    %dma_wait3A_253 = tpu.memref_squeeze %dma_wait3A_252 : memref<1x128x128xf32, #tpu.memory_space<vmem>> -> memref<128x128xf32, #tpu.memory_space<vmem>>
    tpu.wait_dma2 semaphore(%dma_wait3A_247 : memref<!tpu.dma_semaphore, #tpu.memory_space<semaphore_mem>>) src(%dma_wait3A_253 : memref<128x128xf32, #tpu.memory_space<vmem>>) dst(%dma_wait3A_249 : memref<128x128xf32, #tpu.memory_space<vmem_shared>>)
    %add3A_254 = arith.constant 128 : i32
    %add3A_255 = arith.addi %mul3A_73, %add3A_254 : i32
    %dma_wait3A_256 = arith.constant 0 : i32
    %dma_wait3A_257 = arith.constant 0 : i32
    %dma_wait3A_258 = arith.constant 0 : i32
    %dma_wait3A_259 = arith.constant 0 : i32
    %dma_wait3A_260 = tpu.memref_slice %arg12[%dma_wait3A_256, %dma_wait3A_258, %dma_wait3A_259] : memref<2x128x128xf32, #tpu.memory_space<vmem>> -> memref<1x128x128xf32, #tpu.memory_space<vmem>>
    %dma_wait3A_261 = tpu.memref_squeeze %dma_wait3A_260 : memref<1x128x128xf32, #tpu.memory_space<vmem>> -> memref<128x128xf32, #tpu.memory_space<vmem>>
    %dma_wait3A_262 = arith.constant 0 : i32
    %dma_wait3A_263 = tpu.memref_slice %arg7[%add3A_255, %dma_wait3A_262] : memref<10112x128xf32, #tpu.memory_space<vmem_shared>> -> memref<128x128xf32, #tpu.memory_space<vmem_shared>>
    %dma_wait3A_264 = tpu.memref_slice %arg17[%dma_wait3A_257] : memref<2x!tpu.dma_semaphore, #tpu.memory_space<semaphore_mem>> -> memref<1x!tpu.dma_semaphore, #tpu.memory_space<semaphore_mem>>
    %dma_wait3A_265 = tpu.memref_squeeze %dma_wait3A_264 : memref<1x!tpu.dma_semaphore, #tpu.memory_space<semaphore_mem>> -> memref<!tpu.dma_semaphore, #tpu.memory_space<semaphore_mem>>
    %dma_wait3A_266 = arith.constant 0 : i32
    %dma_wait3A_267 = tpu.memref_slice %arg7[%add3A_255, %dma_wait3A_266] : memref<10112x128xf32, #tpu.memory_space<vmem_shared>> -> memref<128x128xf32, #tpu.memory_space<vmem_shared>>
    %dma_wait3A_268 = arith.constant 0 : i32
    %dma_wait3A_269 = arith.constant 0 : i32
    %dma_wait3A_270 = tpu.memref_slice %arg12[%dma_wait3A_256, %dma_wait3A_268, %dma_wait3A_269] : memref<2x128x128xf32, #tpu.memory_space<vmem>> -> memref<1x128x128xf32, #tpu.memory_space<vmem>>
    %dma_wait3A_271 = tpu.memref_squeeze %dma_wait3A_270 : memref<1x128x128xf32, #tpu.memory_space<vmem>> -> memref<128x128xf32, #tpu.memory_space<vmem>>
    tpu.wait_dma2 semaphore(%dma_wait3A_265 : memref<!tpu.dma_semaphore, #tpu.memory_space<semaphore_mem>>) src(%dma_wait3A_271 : memref<128x128xf32, #tpu.memory_space<vmem>>) dst(%dma_wait3A_267 : memref<128x128xf32, #tpu.memory_space<vmem_shared>>)
    %add3A_272 = arith.constant 256 : i32
    %add3A_273 = arith.addi %mul3A_73, %add3A_272 : i32
    %dma_wait3A_274 = arith.constant 0 : i32
    %dma_wait3A_275 = arith.constant 0 : i32
    %dma_wait3A_276 = arith.constant 0 : i32
    %dma_wait3A_277 = arith.constant 0 : i32
    %dma_wait3A_278 = tpu.memref_slice %arg12[%dma_wait3A_274, %dma_wait3A_276, %dma_wait3A_277] : memref<2x128x128xf32, #tpu.memory_space<vmem>> -> memref<1x128x128xf32, #tpu.memory_space<vmem>>
    %dma_wait3A_279 = tpu.memref_squeeze %dma_wait3A_278 : memref<1x128x128xf32, #tpu.memory_space<vmem>> -> memref<128x128xf32, #tpu.memory_space<vmem>>
    %dma_wait3A_280 = arith.constant 0 : i32
    %dma_wait3A_281 = tpu.memref_slice %arg7[%add3A_273, %dma_wait3A_280] : memref<10112x128xf32, #tpu.memory_space<vmem_shared>> -> memref<128x128xf32, #tpu.memory_space<vmem_shared>>
    %dma_wait3A_282 = tpu.memref_slice %arg17[%dma_wait3A_275] : memref<2x!tpu.dma_semaphore, #tpu.memory_space<semaphore_mem>> -> memref<1x!tpu.dma_semaphore, #tpu.memory_space<semaphore_mem>>
    %dma_wait3A_283 = tpu.memref_squeeze %dma_wait3A_282 : memref<1x!tpu.dma_semaphore, #tpu.memory_space<semaphore_mem>> -> memref<!tpu.dma_semaphore, #tpu.memory_space<semaphore_mem>>
    %dma_wait3A_284 = arith.constant 0 : i32
    %dma_wait3A_285 = tpu.memref_slice %arg7[%add3A_273, %dma_wait3A_284] : memref<10112x128xf32, #tpu.memory_space<vmem_shared>> -> memref<128x128xf32, #tpu.memory_space<vmem_shared>>
    %dma_wait3A_286 = arith.constant 0 : i32
    %dma_wait3A_287 = arith.constant 0 : i32
    %dma_wait3A_288 = tpu.memref_slice %arg12[%dma_wait3A_274, %dma_wait3A_286, %dma_wait3A_287] : memref<2x128x128xf32, #tpu.memory_space<vmem>> -> memref<1x128x128xf32, #tpu.memory_space<vmem>>
    %dma_wait3A_289 = tpu.memref_squeeze %dma_wait3A_288 : memref<1x128x128xf32, #tpu.memory_space<vmem>> -> memref<128x128xf32, #tpu.memory_space<vmem>>
    tpu.wait_dma2 semaphore(%dma_wait3A_283 : memref<!tpu.dma_semaphore, #tpu.memory_space<semaphore_mem>>) src(%dma_wait3A_289 : memref<128x128xf32, #tpu.memory_space<vmem>>) dst(%dma_wait3A_285 : memref<128x128xf32, #tpu.memory_space<vmem_shared>>)
    %add3A_290 = arith.constant 384 : i32
    %add3A_291 = arith.addi %mul3A_73, %add3A_290 : i32
    %dma_wait3A_292 = arith.constant 0 : i32
    %dma_wait3A_293 = arith.constant 0 : i32
    %dma_wait3A_294 = arith.constant 0 : i32
    %dma_wait3A_295 = arith.constant 0 : i32
    %dma_wait3A_296 = tpu.memref_slice %arg12[%dma_wait3A_292, %dma_wait3A_294, %dma_wait3A_295] : memref<2x128x128xf32, #tpu.memory_space<vmem>> -> memref<1x128x128xf32, #tpu.memory_space<vmem>>
    %dma_wait3A_297 = tpu.memref_squeeze %dma_wait3A_296 : memref<1x128x128xf32, #tpu.memory_space<vmem>> -> memref<128x128xf32, #tpu.memory_space<vmem>>
    %dma_wait3A_298 = arith.constant 0 : i32
    %dma_wait3A_299 = tpu.memref_slice %arg7[%add3A_291, %dma_wait3A_298] : memref<10112x128xf32, #tpu.memory_space<vmem_shared>> -> memref<128x128xf32, #tpu.memory_space<vmem_shared>>
    %dma_wait3A_300 = tpu.memref_slice %arg17[%dma_wait3A_293] : memref<2x!tpu.dma_semaphore, #tpu.memory_space<semaphore_mem>> -> memref<1x!tpu.dma_semaphore, #tpu.memory_space<semaphore_mem>>
    %dma_wait3A_301 = tpu.memref_squeeze %dma_wait3A_300 : memref<1x!tpu.dma_semaphore, #tpu.memory_space<semaphore_mem>> -> memref<!tpu.dma_semaphore, #tpu.memory_space<semaphore_mem>>
    %dma_wait3A_302 = arith.constant 0 : i32
    %dma_wait3A_303 = tpu.memref_slice %arg7[%add3A_291, %dma_wait3A_302] : memref<10112x128xf32, #tpu.memory_space<vmem_shared>> -> memref<128x128xf32, #tpu.memory_space<vmem_shared>>
    %dma_wait3A_304 = arith.constant 0 : i32
    %dma_wait3A_305 = arith.constant 0 : i32
    %dma_wait3A_306 = tpu.memref_slice %arg12[%dma_wait3A_292, %dma_wait3A_304, %dma_wait3A_305] : memref<2x128x128xf32, #tpu.memory_space<vmem>> -> memref<1x128x128xf32, #tpu.memory_space<vmem>>
    %dma_wait3A_307 = tpu.memref_squeeze %dma_wait3A_306 : memref<1x128x128xf32, #tpu.memory_space<vmem>> -> memref<128x128xf32, #tpu.memory_space<vmem>>
    tpu.wait_dma2 semaphore(%dma_wait3A_301 : memref<!tpu.dma_semaphore, #tpu.memory_space<semaphore_mem>>) src(%dma_wait3A_307 : memref<128x128xf32, #tpu.memory_space<vmem>>) dst(%dma_wait3A_303 : memref<128x128xf32, #tpu.memory_space<vmem_shared>>)
    %add3A_308 = arith.constant 512 : i32
    %add3A_309 = arith.addi %mul3A_73, %add3A_308 : i32
    %dma_wait3A_310 = arith.constant 0 : i32
    %dma_wait3A_311 = arith.constant 0 : i32
    %dma_wait3A_312 = arith.constant 0 : i32
    %dma_wait3A_313 = arith.constant 0 : i32
    %dma_wait3A_314 = tpu.memref_slice %arg12[%dma_wait3A_310, %dma_wait3A_312, %dma_wait3A_313] : memref<2x128x128xf32, #tpu.memory_space<vmem>> -> memref<1x120x128xf32, #tpu.memory_space<vmem>>
    %dma_wait3A_315 = tpu.memref_squeeze %dma_wait3A_314 : memref<1x120x128xf32, #tpu.memory_space<vmem>> -> memref<120x128xf32, #tpu.memory_space<vmem>>
    %dma_wait3A_316 = arith.constant 0 : i32
    %dma_wait3A_317 = tpu.memref_slice %arg7[%add3A_309, %dma_wait3A_316] : memref<10112x128xf32, #tpu.memory_space<vmem_shared>> -> memref<120x128xf32, #tpu.memory_space<vmem_shared>>
    %dma_wait3A_318 = tpu.memref_slice %arg17[%dma_wait3A_311] : memref<2x!tpu.dma_semaphore, #tpu.memory_space<semaphore_mem>> -> memref<1x!tpu.dma_semaphore, #tpu.memory_space<semaphore_mem>>
    %dma_wait3A_319 = tpu.memref_squeeze %dma_wait3A_318 : memref<1x!tpu.dma_semaphore, #tpu.memory_space<semaphore_mem>> -> memref<!tpu.dma_semaphore, #tpu.memory_space<semaphore_mem>>
    %dma_wait3A_320 = arith.constant 0 : i32
    %dma_wait3A_321 = tpu.memref_slice %arg7[%add3A_309, %dma_wait3A_320] : memref<10112x128xf32, #tpu.memory_space<vmem_shared>> -> memref<120x128xf32, #tpu.memory_space<vmem_shared>>
    %dma_wait3A_322 = arith.constant 0 : i32
    %dma_wait3A_323 = arith.constant 0 : i32
    %dma_wait3A_324 = tpu.memref_slice %arg12[%dma_wait3A_310, %dma_wait3A_322, %dma_wait3A_323] : memref<2x128x128xf32, #tpu.memory_space<vmem>> -> memref<1x120x128xf32, #tpu.memory_space<vmem>>
    %dma_wait3A_325 = tpu.memref_squeeze %dma_wait3A_324 : memref<1x120x128xf32, #tpu.memory_space<vmem>> -> memref<120x128xf32, #tpu.memory_space<vmem>>
    tpu.wait_dma2 semaphore(%dma_wait3A_319 : memref<!tpu.dma_semaphore, #tpu.memory_space<semaphore_mem>>) src(%dma_wait3A_325 : memref<120x128xf32, #tpu.memory_space<vmem>>) dst(%dma_wait3A_321 : memref<120x128xf32, #tpu.memory_space<vmem_shared>>)
    %add3A_326 = arith.constant 0 : i32
    %add3A_327 = arith.addi %mul3A_73, %add3A_326 : i32
    %dma_wait3A_328 = arith.constant 1 : i32
    %dma_wait3A_329 = arith.constant 0 : i32
    %dma_wait3A_330 = tpu.memref_slice %arg8[%add3A_327, %dma_wait3A_329] : memref<10112x8xf32, #tpu.memory_space<vmem_shared>> -> memref<79x8xf32, #tpu.memory_space<vmem_shared>>
    %dma_wait3A_331 = tpu.memref_slice %arg17[%dma_wait3A_328] : memref<2x!tpu.dma_semaphore, #tpu.memory_space<semaphore_mem>> -> memref<1x!tpu.dma_semaphore, #tpu.memory_space<semaphore_mem>>
    %dma_wait3A_332 = tpu.memref_squeeze %dma_wait3A_331 : memref<1x!tpu.dma_semaphore, #tpu.memory_space<semaphore_mem>> -> memref<!tpu.dma_semaphore, #tpu.memory_space<semaphore_mem>>
    %dma_wait3A_333 = arith.constant 0 : i32
    %dma_wait3A_334 = tpu.memref_slice %arg8[%add3A_327, %dma_wait3A_333] : memref<10112x8xf32, #tpu.memory_space<vmem_shared>> -> memref<79x8xf32, #tpu.memory_space<vmem_shared>>
    tpu.wait_dma2 semaphore(%dma_wait3A_332 : memref<!tpu.dma_semaphore, #tpu.memory_space<semaphore_mem>>) src(%arg14 : memref<79x8xf32, #tpu.memory_space<vmem>>) dst(%dma_wait3A_334 : memref<79x8xf32, #tpu.memory_space<vmem_shared>>)
    %add3A_335 = arith.constant 79 : i32
    %add3A_336 = arith.addi %mul3A_73, %add3A_335 : i32
    %dma_wait3A_337 = arith.constant 1 : i32
    %dma_wait3A_338 = arith.constant 0 : i32
    %dma_wait3A_339 = tpu.memref_slice %arg8[%add3A_336, %dma_wait3A_338] : memref<10112x8xf32, #tpu.memory_space<vmem_shared>> -> memref<79x8xf32, #tpu.memory_space<vmem_shared>>
    %dma_wait3A_340 = tpu.memref_slice %arg17[%dma_wait3A_337] : memref<2x!tpu.dma_semaphore, #tpu.memory_space<semaphore_mem>> -> memref<1x!tpu.dma_semaphore, #tpu.memory_space<semaphore_mem>>
    %dma_wait3A_341 = tpu.memref_squeeze %dma_wait3A_340 : memref<1x!tpu.dma_semaphore, #tpu.memory_space<semaphore_mem>> -> memref<!tpu.dma_semaphore, #tpu.memory_space<semaphore_mem>>
    %dma_wait3A_342 = arith.constant 0 : i32
    %dma_wait3A_343 = tpu.memref_slice %arg8[%add3A_336, %dma_wait3A_342] : memref<10112x8xf32, #tpu.memory_space<vmem_shared>> -> memref<79x8xf32, #tpu.memory_space<vmem_shared>>
    tpu.wait_dma2 semaphore(%dma_wait3A_341 : memref<!tpu.dma_semaphore, #tpu.memory_space<semaphore_mem>>) src(%arg14 : memref<79x8xf32, #tpu.memory_space<vmem>>) dst(%dma_wait3A_343 : memref<79x8xf32, #tpu.memory_space<vmem_shared>>)
    %add3A_344 = arith.constant 158 : i32
    %add3A_345 = arith.addi %mul3A_73, %add3A_344 : i32
    %dma_wait3A_346 = arith.constant 1 : i32
    %dma_wait3A_347 = arith.constant 0 : i32
    %dma_wait3A_348 = tpu.memref_slice %arg8[%add3A_345, %dma_wait3A_347] : memref<10112x8xf32, #tpu.memory_space<vmem_shared>> -> memref<79x8xf32, #tpu.memory_space<vmem_shared>>
    %dma_wait3A_349 = tpu.memref_slice %arg17[%dma_wait3A_346] : memref<2x!tpu.dma_semaphore, #tpu.memory_space<semaphore_mem>> -> memref<1x!tpu.dma_semaphore, #tpu.memory_space<semaphore_mem>>
    %dma_wait3A_350 = tpu.memref_squeeze %dma_wait3A_349 : memref<1x!tpu.dma_semaphore, #tpu.memory_space<semaphore_mem>> -> memref<!tpu.dma_semaphore, #tpu.memory_space<semaphore_mem>>
    %dma_wait3A_351 = arith.constant 0 : i32
    %dma_wait3A_352 = tpu.memref_slice %arg8[%add3A_345, %dma_wait3A_351] : memref<10112x8xf32, #tpu.memory_space<vmem_shared>> -> memref<79x8xf32, #tpu.memory_space<vmem_shared>>
    tpu.wait_dma2 semaphore(%dma_wait3A_350 : memref<!tpu.dma_semaphore, #tpu.memory_space<semaphore_mem>>) src(%arg14 : memref<79x8xf32, #tpu.memory_space<vmem>>) dst(%dma_wait3A_352 : memref<79x8xf32, #tpu.memory_space<vmem_shared>>)
    %add3A_353 = arith.constant 237 : i32
    %add3A_354 = arith.addi %mul3A_73, %add3A_353 : i32
    %dma_wait3A_355 = arith.constant 1 : i32
    %dma_wait3A_356 = arith.constant 0 : i32
    %dma_wait3A_357 = tpu.memref_slice %arg8[%add3A_354, %dma_wait3A_356] : memref<10112x8xf32, #tpu.memory_space<vmem_shared>> -> memref<79x8xf32, #tpu.memory_space<vmem_shared>>
    %dma_wait3A_358 = tpu.memref_slice %arg17[%dma_wait3A_355] : memref<2x!tpu.dma_semaphore, #tpu.memory_space<semaphore_mem>> -> memref<1x!tpu.dma_semaphore, #tpu.memory_space<semaphore_mem>>
    %dma_wait3A_359 = tpu.memref_squeeze %dma_wait3A_358 : memref<1x!tpu.dma_semaphore, #tpu.memory_space<semaphore_mem>> -> memref<!tpu.dma_semaphore, #tpu.memory_space<semaphore_mem>>
    %dma_wait3A_360 = arith.constant 0 : i32
    %dma_wait3A_361 = tpu.memref_slice %arg8[%add3A_354, %dma_wait3A_360] : memref<10112x8xf32, #tpu.memory_space<vmem_shared>> -> memref<79x8xf32, #tpu.memory_space<vmem_shared>>
    tpu.wait_dma2 semaphore(%dma_wait3A_359 : memref<!tpu.dma_semaphore, #tpu.memory_space<semaphore_mem>>) src(%arg14 : memref<79x8xf32, #tpu.memory_space<vmem>>) dst(%dma_wait3A_361 : memref<79x8xf32, #tpu.memory_space<vmem_shared>>)
    %add3A_362 = arith.constant 316 : i32
    %add3A_363 = arith.addi %mul3A_73, %add3A_362 : i32
    %dma_wait3A_364 = arith.constant 1 : i32
    %dma_wait3A_365 = arith.constant 0 : i32
    %dma_wait3A_366 = tpu.memref_slice %arg8[%add3A_363, %dma_wait3A_365] : memref<10112x8xf32, #tpu.memory_space<vmem_shared>> -> memref<79x8xf32, #tpu.memory_space<vmem_shared>>
    %dma_wait3A_367 = tpu.memref_slice %arg17[%dma_wait3A_364] : memref<2x!tpu.dma_semaphore, #tpu.memory_space<semaphore_mem>> -> memref<1x!tpu.dma_semaphore, #tpu.memory_space<semaphore_mem>>
    %dma_wait3A_368 = tpu.memref_squeeze %dma_wait3A_367 : memref<1x!tpu.dma_semaphore, #tpu.memory_space<semaphore_mem>> -> memref<!tpu.dma_semaphore, #tpu.memory_space<semaphore_mem>>
    %dma_wait3A_369 = arith.constant 0 : i32
    %dma_wait3A_370 = tpu.memref_slice %arg8[%add3A_363, %dma_wait3A_369] : memref<10112x8xf32, #tpu.memory_space<vmem_shared>> -> memref<79x8xf32, #tpu.memory_space<vmem_shared>>
    tpu.wait_dma2 semaphore(%dma_wait3A_368 : memref<!tpu.dma_semaphore, #tpu.memory_space<semaphore_mem>>) src(%arg14 : memref<79x8xf32, #tpu.memory_space<vmem>>) dst(%dma_wait3A_370 : memref<79x8xf32, #tpu.memory_space<vmem_shared>>)
    %add3A_371 = arith.constant 395 : i32
    %add3A_372 = arith.addi %mul3A_73, %add3A_371 : i32
    %dma_wait3A_373 = arith.constant 1 : i32
    %dma_wait3A_374 = arith.constant 0 : i32
    %dma_wait3A_375 = tpu.memref_slice %arg8[%add3A_372, %dma_wait3A_374] : memref<10112x8xf32, #tpu.memory_space<vmem_shared>> -> memref<79x8xf32, #tpu.memory_space<vmem_shared>>
    %dma_wait3A_376 = tpu.memref_slice %arg17[%dma_wait3A_373] : memref<2x!tpu.dma_semaphore, #tpu.memory_space<semaphore_mem>> -> memref<1x!tpu.dma_semaphore, #tpu.memory_space<semaphore_mem>>
    %dma_wait3A_377 = tpu.memref_squeeze %dma_wait3A_376 : memref<1x!tpu.dma_semaphore, #tpu.memory_space<semaphore_mem>> -> memref<!tpu.dma_semaphore, #tpu.memory_space<semaphore_mem>>
    %dma_wait3A_378 = arith.constant 0 : i32
    %dma_wait3A_379 = tpu.memref_slice %arg8[%add3A_372, %dma_wait3A_378] : memref<10112x8xf32, #tpu.memory_space<vmem_shared>> -> memref<79x8xf32, #tpu.memory_space<vmem_shared>>
    tpu.wait_dma2 semaphore(%dma_wait3A_377 : memref<!tpu.dma_semaphore, #tpu.memory_space<semaphore_mem>>) src(%arg14 : memref<79x8xf32, #tpu.memory_space<vmem>>) dst(%dma_wait3A_379 : memref<79x8xf32, #tpu.memory_space<vmem_shared>>)
    %add3A_380 = arith.constant 474 : i32
    %add3A_381 = arith.addi %mul3A_73, %add3A_380 : i32
    %dma_wait3A_382 = arith.constant 1 : i32
    %dma_wait3A_383 = arith.constant 0 : i32
    %dma_wait3A_384 = tpu.memref_slice %arg8[%add3A_381, %dma_wait3A_383] : memref<10112x8xf32, #tpu.memory_space<vmem_shared>> -> memref<79x8xf32, #tpu.memory_space<vmem_shared>>
    %dma_wait3A_385 = tpu.memref_slice %arg17[%dma_wait3A_382] : memref<2x!tpu.dma_semaphore, #tpu.memory_space<semaphore_mem>> -> memref<1x!tpu.dma_semaphore, #tpu.memory_space<semaphore_mem>>
    %dma_wait3A_386 = tpu.memref_squeeze %dma_wait3A_385 : memref<1x!tpu.dma_semaphore, #tpu.memory_space<semaphore_mem>> -> memref<!tpu.dma_semaphore, #tpu.memory_space<semaphore_mem>>
    %dma_wait3A_387 = arith.constant 0 : i32
    %dma_wait3A_388 = tpu.memref_slice %arg8[%add3A_381, %dma_wait3A_387] : memref<10112x8xf32, #tpu.memory_space<vmem_shared>> -> memref<79x8xf32, #tpu.memory_space<vmem_shared>>
    tpu.wait_dma2 semaphore(%dma_wait3A_386 : memref<!tpu.dma_semaphore, #tpu.memory_space<semaphore_mem>>) src(%arg14 : memref<79x8xf32, #tpu.memory_space<vmem>>) dst(%dma_wait3A_388 : memref<79x8xf32, #tpu.memory_space<vmem_shared>>)
    %add3A_389 = arith.constant 553 : i32
    %add3A_390 = arith.addi %mul3A_73, %add3A_389 : i32
    %dma_wait3A_391 = arith.constant 1 : i32
    %dma_wait3A_392 = arith.constant 0 : i32
    %dma_wait3A_393 = tpu.memref_slice %arg8[%add3A_390, %dma_wait3A_392] : memref<10112x8xf32, #tpu.memory_space<vmem_shared>> -> memref<79x8xf32, #tpu.memory_space<vmem_shared>>
    %dma_wait3A_394 = tpu.memref_slice %arg17[%dma_wait3A_391] : memref<2x!tpu.dma_semaphore, #tpu.memory_space<semaphore_mem>> -> memref<1x!tpu.dma_semaphore, #tpu.memory_space<semaphore_mem>>
    %dma_wait3A_395 = tpu.memref_squeeze %dma_wait3A_394 : memref<1x!tpu.dma_semaphore, #tpu.memory_space<semaphore_mem>> -> memref<!tpu.dma_semaphore, #tpu.memory_space<semaphore_mem>>
    %dma_wait3A_396 = arith.constant 0 : i32
    %dma_wait3A_397 = tpu.memref_slice %arg8[%add3A_390, %dma_wait3A_396] : memref<10112x8xf32, #tpu.memory_space<vmem_shared>> -> memref<79x8xf32, #tpu.memory_space<vmem_shared>>
    tpu.wait_dma2 semaphore(%dma_wait3A_395 : memref<!tpu.dma_semaphore, #tpu.memory_space<semaphore_mem>>) src(%arg14 : memref<79x8xf32, #tpu.memory_space<vmem>>) dst(%dma_wait3A_397 : memref<79x8xf32, #tpu.memory_space<vmem_shared>>)
    %barrier3A = arith.constant 0 : index
    tpu.barrier barrier_id(%barrier3A)
    %scan3A_398 = arith.constant 0 : i32
    %scan3A_399 = arith.constant 0 : i32
    %scan3A_400 = arith.constant 78 : i32
    %scan3A_401 = arith.addi %scan3A_399, %scan3A_400 : i32
    %scan3A_402 = arith.constant 1 : i32
    %scan3A_403 = scf.for %scan3A_539 = %scan3A_399 to %scan3A_401 step %scan3A_402 iter_args(%scan3A_540 = %scan3A_398) -> (i32)  : i32 {
      %jit3A = arith.constant 6 : i32
      %div3A = arith.divsi %scan3A_539, %jit3A : i32
      %sign3A = arith.constant 0 : i32
      %sign3A_541 = arith.cmpi sgt, %scan3A_539, %sign3A : i32
      %sign3A_542 = arith.extui %sign3A_541 : i1 to i32
      %sign3A_543 = arith.constant 0 : i32
      %sign3A_544 = arith.cmpi slt, %scan3A_539, %sign3A_543 : i32
      %sign3A_545 = arith.extui %sign3A_544 : i1 to i32
      %sign3A_546 = arith.subi %sign3A_542, %sign3A_545 : i32
      %sign3A_547 = arith.constant 0 : i32
      %sign3A_548 = arith.cmpi sgt, %jit3A, %sign3A_547 : i32
      %sign3A_549 = arith.extui %sign3A_548 : i1 to i32
      %sign3A_550 = arith.constant 0 : i32
      %sign3A_551 = arith.cmpi slt, %jit3A, %sign3A_550 : i32
      %sign3A_552 = arith.extui %sign3A_551 : i1 to i32
      %sign3A_553 = arith.subi %sign3A_549, %sign3A_552 : i32
      %ne3A = arith.cmpi ne, %sign3A_546, %sign3A_553 : i32
      %rem3A_554 = arith.remsi %scan3A_539, %jit3A : i32
      %ne3A_555 = arith.constant 0 : i32
      %ne3A_556 = arith.cmpi ne, %rem3A_554, %ne3A_555 : i32
      %and3A = arith.andi %ne3A, %ne3A_556 : i1
      %sub3A = arith.constant 1 : i32
      %sub3A_557 = arith.subi %div3A, %sub3A : i32
      %select_n3A = arith.select %and3A, %sub3A_557, %div3A : i32
      %rem3A_558 = arith.constant 6 : i32
      %rem3A_559 = arith.remsi %scan3A_539, %rem3A_558 : i32
      %eq3A = arith.constant 0 : i32
      %eq3A_560 = arith.cmpi eq, %rem3A_559, %eq3A : i32
      %gt3A = arith.constant 1 : i32
      %gt3A_561 = arith.cmpi sgt, %scan3A_539, %gt3A : i32
      %convert_element_type3A_562 = arith.extui %gt3A_561 : i1 to i32
      %cond3A_563 = arith.constant 0 : i32
      %cond3A_564 = arith.cmpi ne, %convert_element_type3A_562, %cond3A_563 : i32
      scf.if %cond3A_564 {
        %sub3A_791 = arith.constant 2 : i32
        %sub3A_792 = arith.subi %scan3A_539, %sub3A_791 : i32
        %rem3A_793 = arith.constant 2 : i32
        %rem3A_794 = arith.remsi %sub3A_792, %rem3A_793 : i32
        %dma_wait3A_795 = arith.constant 0 : i32
        %dma_wait3A_796 = arith.constant 0 : i32
        %dma_wait3A_797 = tpu.memref_slice %arg12[%rem3A_794, %dma_wait3A_795, %dma_wait3A_796] : memref<2x128x128xf32, #tpu.memory_space<vmem>> -> memref<1x128x128xf32, #tpu.memory_space<vmem>>
        %dma_wait3A_798 = tpu.memref_squeeze %dma_wait3A_797 : memref<1x128x128xf32, #tpu.memory_space<vmem>> -> memref<128x128xf32, #tpu.memory_space<vmem>>
        %dma_wait3A_799 = arith.constant 0 : i32
        %dma_wait3A_800 = arith.constant 0 : i32
        %dma_wait3A_801 = tpu.memref_slice %arg7[%dma_wait3A_799, %dma_wait3A_800] : memref<10112x128xf32, #tpu.memory_space<vmem_shared>> -> memref<128x128xf32, #tpu.memory_space<vmem_shared>>
        %dma_wait3A_802 = tpu.memref_slice %arg17[%rem3A_794] : memref<2x!tpu.dma_semaphore, #tpu.memory_space<semaphore_mem>> -> memref<1x!tpu.dma_semaphore, #tpu.memory_space<semaphore_mem>>
        %dma_wait3A_803 = tpu.memref_squeeze %dma_wait3A_802 : memref<1x!tpu.dma_semaphore, #tpu.memory_space<semaphore_mem>> -> memref<!tpu.dma_semaphore, #tpu.memory_space<semaphore_mem>>
        %dma_wait3A_804 = arith.constant 0 : i32
        %dma_wait3A_805 = arith.constant 0 : i32
        %dma_wait3A_806 = tpu.memref_slice %arg7[%dma_wait3A_804, %dma_wait3A_805] : memref<10112x128xf32, #tpu.memory_space<vmem_shared>> -> memref<128x128xf32, #tpu.memory_space<vmem_shared>>
        %dma_wait3A_807 = arith.constant 0 : i32
        %dma_wait3A_808 = arith.constant 0 : i32
        %dma_wait3A_809 = tpu.memref_slice %arg12[%rem3A_794, %dma_wait3A_807, %dma_wait3A_808] : memref<2x128x128xf32, #tpu.memory_space<vmem>> -> memref<1x128x128xf32, #tpu.memory_space<vmem>>
        %dma_wait3A_810 = tpu.memref_squeeze %dma_wait3A_809 : memref<1x128x128xf32, #tpu.memory_space<vmem>> -> memref<128x128xf32, #tpu.memory_space<vmem>>
        tpu.wait_dma2 semaphore(%dma_wait3A_803 : memref<!tpu.dma_semaphore, #tpu.memory_space<semaphore_mem>>) src(%dma_wait3A_810 : memref<128x128xf32, #tpu.memory_space<vmem>>) dst(%dma_wait3A_806 : memref<128x128xf32, #tpu.memory_space<vmem_shared>>)
        %dma_wait3A_811 = arith.constant 0 : i32
        %dma_wait3A_812 = arith.constant 0 : i32
        %dma_wait3A_813 = tpu.memref_slice %arg8[%dma_wait3A_811, %dma_wait3A_812] : memref<10112x8xf32, #tpu.memory_space<vmem_shared>> -> memref<128x8xf32, #tpu.memory_space<vmem_shared>>
        %dma_wait3A_814 = tpu.memref_slice %arg17[%rem3A_794] : memref<2x!tpu.dma_semaphore, #tpu.memory_space<semaphore_mem>> -> memref<1x!tpu.dma_semaphore, #tpu.memory_space<semaphore_mem>>
        %dma_wait3A_815 = tpu.memref_squeeze %dma_wait3A_814 : memref<1x!tpu.dma_semaphore, #tpu.memory_space<semaphore_mem>> -> memref<!tpu.dma_semaphore, #tpu.memory_space<semaphore_mem>>
        %dma_wait3A_816 = arith.constant 0 : i32
        %dma_wait3A_817 = arith.constant 0 : i32
        %dma_wait3A_818 = tpu.memref_slice %arg8[%dma_wait3A_816, %dma_wait3A_817] : memref<10112x8xf32, #tpu.memory_space<vmem_shared>> -> memref<128x8xf32, #tpu.memory_space<vmem_shared>>
        tpu.wait_dma2 semaphore(%dma_wait3A_815 : memref<!tpu.dma_semaphore, #tpu.memory_space<semaphore_mem>>) src(%arg13 : memref<128x8xf32, #tpu.memory_space<vmem>>) dst(%dma_wait3A_818 : memref<128x8xf32, #tpu.memory_space<vmem_shared>>)
      } else {
      }
      %convert_element_type3A_565 = arith.extui %eq3A_560 : i1 to i32
      %cond3A_566 = arith.constant 0 : i32
      %cond3A_567 = arith.cmpi ne, %convert_element_type3A_565, %cond3A_566 : i32
      scf.if %cond3A_567 {
        %rem3A_791 = arith.constant 3 : i32
        %rem3A_792 = arith.remsi %select_n3A, %rem3A_791 : i32
        %dma_wait3A_793 = arith.constant 0 : i32
        %dma_wait3A_794 = tpu.memref_slice %arg9[%rem3A_792, %dma_wait3A_793] : memref<3x768xi32, #tpu.memory_space<vmem>> -> memref<1x768xi32, #tpu.memory_space<vmem>>
        %dma_wait3A_795 = tpu.memref_squeeze %dma_wait3A_794 : memref<1x768xi32, #tpu.memory_space<vmem>> -> memref<768xi32, #tpu.memory_space<vmem>>
        %dma_wait3A_796 = arith.constant 0 : i32
        %dma_wait3A_797 = tpu.memref_slice %arg3[%dma_wait3A_796] : memref<640000xi32, #tpu.memory_space<hbm>> -> memref<768xi32, #tpu.memory_space<hbm>>
        %dma_wait3A_798 = tpu.memref_slice %arg16[%rem3A_792] : memref<3x!tpu.dma_semaphore, #tpu.memory_space<semaphore_mem>> -> memref<1x!tpu.dma_semaphore, #tpu.memory_space<semaphore_mem>>
        %dma_wait3A_799 = tpu.memref_squeeze %dma_wait3A_798 : memref<1x!tpu.dma_semaphore, #tpu.memory_space<semaphore_mem>> -> memref<!tpu.dma_semaphore, #tpu.memory_space<semaphore_mem>>
        %dma_wait3A_800 = arith.constant 0 : i32
        %dma_wait3A_801 = tpu.memref_slice %arg9[%rem3A_792, %dma_wait3A_800] : memref<3x768xi32, #tpu.memory_space<vmem>> -> memref<1x768xi32, #tpu.memory_space<vmem>>
        %dma_wait3A_802 = tpu.memref_squeeze %dma_wait3A_801 : memref<1x768xi32, #tpu.memory_space<vmem>> -> memref<768xi32, #tpu.memory_space<vmem>>
        %dma_wait3A_803 = arith.constant 0 : i32
        %dma_wait3A_804 = tpu.memref_slice %arg3[%dma_wait3A_803] : memref<640000xi32, #tpu.memory_space<hbm>> -> memref<768xi32, #tpu.memory_space<hbm>>
        tpu.wait_dma2 semaphore(%dma_wait3A_799 : memref<!tpu.dma_semaphore, #tpu.memory_space<semaphore_mem>>) src(%dma_wait3A_804 : memref<768xi32, #tpu.memory_space<hbm>>) dst(%dma_wait3A_802 : memref<768xi32, #tpu.memory_space<vmem>>)
        %dma_wait3A_805 = arith.constant 0 : i32
        %dma_wait3A_806 = tpu.memref_slice %arg10[%rem3A_792, %dma_wait3A_805] : memref<3x768xi32, #tpu.memory_space<vmem>> -> memref<1x768xi32, #tpu.memory_space<vmem>>
        %dma_wait3A_807 = tpu.memref_squeeze %dma_wait3A_806 : memref<1x768xi32, #tpu.memory_space<vmem>> -> memref<768xi32, #tpu.memory_space<vmem>>
        %dma_wait3A_808 = arith.constant 0 : i32
        %dma_wait3A_809 = tpu.memref_slice %arg3[%dma_wait3A_808] : memref<640000xi32, #tpu.memory_space<hbm>> -> memref<768xi32, #tpu.memory_space<hbm>>
        %dma_wait3A_810 = tpu.memref_slice %arg16[%rem3A_792] : memref<3x!tpu.dma_semaphore, #tpu.memory_space<semaphore_mem>> -> memref<1x!tpu.dma_semaphore, #tpu.memory_space<semaphore_mem>>
        %dma_wait3A_811 = tpu.memref_squeeze %dma_wait3A_810 : memref<1x!tpu.dma_semaphore, #tpu.memory_space<semaphore_mem>> -> memref<!tpu.dma_semaphore, #tpu.memory_space<semaphore_mem>>
        %dma_wait3A_812 = arith.constant 0 : i32
        %dma_wait3A_813 = tpu.memref_slice %arg10[%rem3A_792, %dma_wait3A_812] : memref<3x768xi32, #tpu.memory_space<vmem>> -> memref<1x768xi32, #tpu.memory_space<vmem>>
        %dma_wait3A_814 = tpu.memref_squeeze %dma_wait3A_813 : memref<1x768xi32, #tpu.memory_space<vmem>> -> memref<768xi32, #tpu.memory_space<vmem>>
        %dma_wait3A_815 = arith.constant 0 : i32
        %dma_wait3A_816 = tpu.memref_slice %arg3[%dma_wait3A_815] : memref<640000xi32, #tpu.memory_space<hbm>> -> memref<768xi32, #tpu.memory_space<hbm>>
        tpu.wait_dma2 semaphore(%dma_wait3A_811 : memref<!tpu.dma_semaphore, #tpu.memory_space<semaphore_mem>>) src(%dma_wait3A_816 : memref<768xi32, #tpu.memory_space<hbm>>) dst(%dma_wait3A_814 : memref<768xi32, #tpu.memory_space<vmem>>)
      } else {
      }
      %add3A_568 = arith.constant 1 : i32
      %add3A_569 = arith.addi %select_n3A, %add3A_568 : i32
      %lt3A_570 = arith.constant 13 : i32
      %lt3A_571 = arith.cmpi slt, %add3A_569, %lt3A_570 : i32
      %and3A_572 = arith.andi %eq3A_560, %lt3A_571 : i1
      %convert_element_type3A_573 = arith.extui %and3A_572 : i1 to i32
      %cond3A_574 = arith.constant 0 : i32
      %cond3A_575 = arith.cmpi ne, %convert_element_type3A_573, %cond3A_574 : i32
      scf.if %cond3A_575 {
        %add3A_791 = arith.constant 1 : i32
        %add3A_792 = arith.addi %select_n3A, %add3A_791 : i32
        %rem3A_793 = arith.constant 3 : i32
        %rem3A_794 = arith.remsi %add3A_792, %rem3A_793 : i32
        %mul3A_795 = arith.constant 6 : i32
        %mul3A_796 = arith.muli %add3A_792, %mul3A_795 : i32
        %add3A_797 = arith.addi %mul3A_2, %mul3A_796 : i32
        %mul3A_798 = arith.constant 128 : i32
        %mul3A_799 = arith.muli %add3A_797, %mul3A_798 : i32
        %dma_start3A_800 = arith.constant 0 : i32
        %dma_start3A_801 = tpu.memref_slice %arg9[%rem3A_794, %dma_start3A_800] : memref<3x768xi32, #tpu.memory_space<vmem>> -> memref<1x768xi32, #tpu.memory_space<vmem>>
        %dma_start3A_802 = tpu.memref_squeeze %dma_start3A_801 : memref<1x768xi32, #tpu.memory_space<vmem>> -> memref<768xi32, #tpu.memory_space<vmem>>
        %dma_start3A_803 = tpu.memref_slice %arg3[%mul3A_799] : memref<640000xi32, #tpu.memory_space<hbm>> -> memref<768xi32, #tpu.memory_space<hbm>>
        %dma_start3A_804 = tpu.memref_slice %arg16[%rem3A_794] : memref<3x!tpu.dma_semaphore, #tpu.memory_space<semaphore_mem>> -> memref<1x!tpu.dma_semaphore, #tpu.memory_space<semaphore_mem>>
        %dma_start3A_805 = tpu.memref_squeeze %dma_start3A_804 : memref<1x!tpu.dma_semaphore, #tpu.memory_space<semaphore_mem>> -> memref<!tpu.dma_semaphore, #tpu.memory_space<semaphore_mem>>
        %dma_start3A_806 = arith.constant 0 : i32
        %dma_start3A_807 = tpu.memref_slice %arg9[%rem3A_794, %dma_start3A_806] : memref<3x768xi32, #tpu.memory_space<vmem>> -> memref<1x768xi32, #tpu.memory_space<vmem>>
        %dma_start3A_808 = tpu.memref_squeeze %dma_start3A_807 : memref<1x768xi32, #tpu.memory_space<vmem>> -> memref<768xi32, #tpu.memory_space<vmem>>
        %dma_start3A_809 = tpu.memref_slice %arg3[%mul3A_799] : memref<640000xi32, #tpu.memory_space<hbm>> -> memref<768xi32, #tpu.memory_space<hbm>>
        tpu.enqueue_dma source(%dma_start3A_809 : memref<768xi32, #tpu.memory_space<hbm>>) target(%dma_start3A_808 : memref<768xi32, #tpu.memory_space<vmem>>) target_semaphore(%dma_start3A_805 : memref<!tpu.dma_semaphore, #tpu.memory_space<semaphore_mem>>)
        %add3A_810 = arith.constant 320000 : i32
        %add3A_811 = arith.addi %add3A_810, %mul3A_799 : i32
        %dma_start3A_812 = arith.constant 0 : i32
        %dma_start3A_813 = tpu.memref_slice %arg10[%rem3A_794, %dma_start3A_812] : memref<3x768xi32, #tpu.memory_space<vmem>> -> memref<1x768xi32, #tpu.memory_space<vmem>>
        %dma_start3A_814 = tpu.memref_squeeze %dma_start3A_813 : memref<1x768xi32, #tpu.memory_space<vmem>> -> memref<768xi32, #tpu.memory_space<vmem>>
        %dma_start3A_815 = tpu.memref_slice %arg3[%add3A_811] : memref<640000xi32, #tpu.memory_space<hbm>> -> memref<768xi32, #tpu.memory_space<hbm>>
        %dma_start3A_816 = tpu.memref_slice %arg16[%rem3A_794] : memref<3x!tpu.dma_semaphore, #tpu.memory_space<semaphore_mem>> -> memref<1x!tpu.dma_semaphore, #tpu.memory_space<semaphore_mem>>
        %dma_start3A_817 = tpu.memref_squeeze %dma_start3A_816 : memref<1x!tpu.dma_semaphore, #tpu.memory_space<semaphore_mem>> -> memref<!tpu.dma_semaphore, #tpu.memory_space<semaphore_mem>>
        %dma_start3A_818 = arith.constant 0 : i32
        %dma_start3A_819 = tpu.memref_slice %arg10[%rem3A_794, %dma_start3A_818] : memref<3x768xi32, #tpu.memory_space<vmem>> -> memref<1x768xi32, #tpu.memory_space<vmem>>
        %dma_start3A_820 = tpu.memref_squeeze %dma_start3A_819 : memref<1x768xi32, #tpu.memory_space<vmem>> -> memref<768xi32, #tpu.memory_space<vmem>>
        %dma_start3A_821 = tpu.memref_slice %arg3[%add3A_811] : memref<640000xi32, #tpu.memory_space<hbm>> -> memref<768xi32, #tpu.memory_space<hbm>>
        tpu.enqueue_dma source(%dma_start3A_821 : memref<768xi32, #tpu.memory_space<hbm>>) target(%dma_start3A_820 : memref<768xi32, #tpu.memory_space<vmem>>) target_semaphore(%dma_start3A_817 : memref<!tpu.dma_semaphore, #tpu.memory_space<semaphore_mem>>)
      } else {
      }
      %rem3A_576 = arith.constant 2 : i32
      %rem3A_577 = arith.remsi %scan3A_539, %rem3A_576 : i32
      %jit3A_578 = arith.constant 6 : i32
      %div3A_579 = arith.divsi %scan3A_539, %jit3A_578 : i32
      %sign3A_580 = arith.constant 0 : i32
      %sign3A_581 = arith.cmpi sgt, %scan3A_539, %sign3A_580 : i32
      %sign3A_582 = arith.extui %sign3A_581 : i1 to i32
      %sign3A_583 = arith.constant 0 : i32
      %sign3A_584 = arith.cmpi slt, %scan3A_539, %sign3A_583 : i32
      %sign3A_585 = arith.extui %sign3A_584 : i1 to i32
      %sign3A_586 = arith.subi %sign3A_582, %sign3A_585 : i32
      %sign3A_587 = arith.constant 0 : i32
      %sign3A_588 = arith.cmpi sgt, %jit3A_578, %sign3A_587 : i32
      %sign3A_589 = arith.extui %sign3A_588 : i1 to i32
      %sign3A_590 = arith.constant 0 : i32
      %sign3A_591 = arith.cmpi slt, %jit3A_578, %sign3A_590 : i32
      %sign3A_592 = arith.extui %sign3A_591 : i1 to i32
      %sign3A_593 = arith.subi %sign3A_589, %sign3A_592 : i32
      %ne3A_594 = arith.cmpi ne, %sign3A_586, %sign3A_593 : i32
      %rem3A_595 = arith.remsi %scan3A_539, %jit3A_578 : i32
      %ne3A_596 = arith.constant 0 : i32
      %ne3A_597 = arith.cmpi ne, %rem3A_595, %ne3A_596 : i32
      %and3A_598 = arith.andi %ne3A_594, %ne3A_597 : i1
      %sub3A_599 = arith.constant 1 : i32
      %sub3A_600 = arith.subi %div3A_579, %sub3A_599 : i32
      %select_n3A_601 = arith.select %and3A_598, %sub3A_600, %div3A_579 : i32
      %rem3A_602 = arith.constant 3 : i32
      %rem3A_603 = arith.remsi %select_n3A_601, %rem3A_602 : i32
      %rem3A_604 = arith.constant 6 : i32
      %rem3A_605 = arith.remsi %scan3A_539, %rem3A_604 : i32
      %mul3A_606 = arith.constant 128 : i32
      %mul3A_607 = arith.muli %rem3A_605, %mul3A_606 : i32
      %add3A_608 = arith.constant 0 : i32
      %add3A_609 = arith.addi %mul3A_607, %add3A_608 : i32
      %get3A = arith.index_cast %rem3A_603 : i32 to index
      %get3A_610 = arith.index_cast %add3A_609 : i32 to index
      %get3A_611 = tpu.vector_load %arg9[%get3A, %get3A_610] {strides = array<i32>} : memref<3x768xi32, #tpu.memory_space<vmem>>, vector<1x16xi32>,
      %get3A_612 = vector.shape_cast %get3A_611 : vector<1x16xi32> to vector<16xi32>
      %add3A_613 = arith.constant 0 : i32
      %add3A_614 = arith.addi %mul3A_607, %add3A_613 : i32
      %get3A_615 = arith.index_cast %rem3A_603 : i32 to index
      %get3A_616 = arith.index_cast %add3A_614 : i32 to index
      %get3A_617 = tpu.vector_load %arg10[%get3A_615, %get3A_616] {strides = array<i32>} : memref<3x768xi32, #tpu.memory_space<vmem>>, vector<1x16xi32>,
      %get3A_618 = vector.shape_cast %get3A_617 : vector<1x16xi32> to vector<16xi32>
      %eq3A_619 = arith.cmpi eq, %get3A_612, %get3A_618 : vector<16xi32>
      %jit3A_620 = arith.constant 10000 : i32
      %broadcast_in_dim3A_621 = vector.broadcast %jit3A_620 : i32 to vector<16xi32>
      %select_n3A_622 = arith.select %eq3A_619, %broadcast_in_dim3A_621, %get3A_612 : vector<16xi1>, vector<16xi32>
      %swap3A = arith.index_cast %rem3A_577 : i32 to index
      %swap3A_623 = arith.constant 0 : index
      %swap3A_624 = tpu.vector_load %arg11[%swap3A, %swap3A_623] {strides = array<i32>} : memref<2x128xi32, #tpu.memory_space<vmem>>, vector<1x16xi32>,
      %swap3A_625 = vector.shape_cast %swap3A_624 : vector<1x16xi32> to vector<16xi32>
      %swap3A_626 = vector.shape_cast %select_n3A_622 : vector<16xi32> to vector<1x16xi32>
      tpu.vector_store %arg11[%swap3A, %swap3A_623], %swap3A_626 {strides = array<i32>} : memref<2x128xi32, #tpu.memory_space<vmem>>, vector<1x16xi32>,
      %add3A_627 = arith.constant 16 : i32
      %add3A_628 = arith.addi %mul3A_607, %add3A_627 : i32
      %get3A_629 = arith.index_cast %rem3A_603 : i32 to index
      %get3A_630 = arith.index_cast %add3A_628 : i32 to index
      %get3A_631 = tpu.vector_load %arg9[%get3A_629, %get3A_630] {strides = array<i32>} : memref<3x768xi32, #tpu.memory_space<vmem>>, vector<1x16xi32>,
      %get3A_632 = vector.shape_cast %get3A_631 : vector<1x16xi32> to vector<16xi32>
      %add3A_633 = arith.constant 16 : i32
      %add3A_634 = arith.addi %mul3A_607, %add3A_633 : i32
      %get3A_635 = arith.index_cast %rem3A_603 : i32 to index
      %get3A_636 = arith.index_cast %add3A_634 : i32 to index
      %get3A_637 = tpu.vector_load %arg10[%get3A_635, %get3A_636] {strides = array<i32>} : memref<3x768xi32, #tpu.memory_space<vmem>>, vector<1x16xi32>,
      %get3A_638 = vector.shape_cast %get3A_637 : vector<1x16xi32> to vector<16xi32>
      %eq3A_639 = arith.cmpi eq, %get3A_632, %get3A_638 : vector<16xi32>
      %jit3A_640 = arith.constant 10000 : i32
      %broadcast_in_dim3A_641 = vector.broadcast %jit3A_640 : i32 to vector<16xi32>
      %select_n3A_642 = arith.select %eq3A_639, %broadcast_in_dim3A_641, %get3A_632 : vector<16xi1>, vector<16xi32>
      %swap3A_643 = arith.index_cast %rem3A_577 : i32 to index
      %swap3A_644 = arith.constant 16 : index
      %swap3A_645 = tpu.vector_load %arg11[%swap3A_643, %swap3A_644] {strides = array<i32>} : memref<2x128xi32, #tpu.memory_space<vmem>>, vector<1x16xi32>,
      %swap3A_646 = vector.shape_cast %swap3A_645 : vector<1x16xi32> to vector<16xi32>
      %swap3A_647 = vector.shape_cast %select_n3A_642 : vector<16xi32> to vector<1x16xi32>
      tpu.vector_store %arg11[%swap3A_643, %swap3A_644], %swap3A_647 {strides = array<i32>} : memref<2x128xi32, #tpu.memory_space<vmem>>, vector<1x16xi32>,
      %add3A_648 = arith.constant 32 : i32
      %add3A_649 = arith.addi %mul3A_607, %add3A_648 : i32
      %get3A_650 = arith.index_cast %rem3A_603 : i32 to index
      %get3A_651 = arith.index_cast %add3A_649 : i32 to index
      %get3A_652 = tpu.vector_load %arg9[%get3A_650, %get3A_651] {strides = array<i32>} : memref<3x768xi32, #tpu.memory_space<vmem>>, vector<1x16xi32>,
      %get3A_653 = vector.shape_cast %get3A_652 : vector<1x16xi32> to vector<16xi32>
      %add3A_654 = arith.constant 32 : i32
      %add3A_655 = arith.addi %mul3A_607, %add3A_654 : i32
      %get3A_656 = arith.index_cast %rem3A_603 : i32 to index
      %get3A_657 = arith.index_cast %add3A_655 : i32 to index
      %get3A_658 = tpu.vector_load %arg10[%get3A_656, %get3A_657] {strides = array<i32>} : memref<3x768xi32, #tpu.memory_space<vmem>>, vector<1x16xi32>,
      %get3A_659 = vector.shape_cast %get3A_658 : vector<1x16xi32> to vector<16xi32>
      %eq3A_660 = arith.cmpi eq, %get3A_653, %get3A_659 : vector<16xi32>
      %jit3A_661 = arith.constant 10000 : i32
      %broadcast_in_dim3A_662 = vector.broadcast %jit3A_661 : i32 to vector<16xi32>
      %select_n3A_663 = arith.select %eq3A_660, %broadcast_in_dim3A_662, %get3A_653 : vector<16xi1>, vector<16xi32>
      %swap3A_664 = arith.index_cast %rem3A_577 : i32 to index
      %swap3A_665 = arith.constant 32 : index
      %swap3A_666 = tpu.vector_load %arg11[%swap3A_664, %swap3A_665] {strides = array<i32>} : memref<2x128xi32, #tpu.memory_space<vmem>>, vector<1x16xi32>,
      %swap3A_667 = vector.shape_cast %swap3A_666 : vector<1x16xi32> to vector<16xi32>
      %swap3A_668 = vector.shape_cast %select_n3A_663 : vector<16xi32> to vector<1x16xi32>
      tpu.vector_store %arg11[%swap3A_664, %swap3A_665], %swap3A_668 {strides = array<i32>} : memref<2x128xi32, #tpu.memory_space<vmem>>, vector<1x16xi32>,
      %add3A_669 = arith.constant 48 : i32
      %add3A_670 = arith.addi %mul3A_607, %add3A_669 : i32
      %get3A_671 = arith.index_cast %rem3A_603 : i32 to index
      %get3A_672 = arith.index_cast %add3A_670 : i32 to index
      %get3A_673 = tpu.vector_load %arg9[%get3A_671, %get3A_672] {strides = array<i32>} : memref<3x768xi32, #tpu.memory_space<vmem>>, vector<1x16xi32>,
      %get3A_674 = vector.shape_cast %get3A_673 : vector<1x16xi32> to vector<16xi32>
      %add3A_675 = arith.constant 48 : i32
      %add3A_676 = arith.addi %mul3A_607, %add3A_675 : i32
      %get3A_677 = arith.index_cast %rem3A_603 : i32 to index
      %get3A_678 = arith.index_cast %add3A_676 : i32 to index
      %get3A_679 = tpu.vector_load %arg10[%get3A_677, %get3A_678] {strides = array<i32>} : memref<3x768xi32, #tpu.memory_space<vmem>>, vector<1x16xi32>,
      %get3A_680 = vector.shape_cast %get3A_679 : vector<1x16xi32> to vector<16xi32>
      %eq3A_681 = arith.cmpi eq, %get3A_674, %get3A_680 : vector<16xi32>
      %jit3A_682 = arith.constant 10000 : i32
      %broadcast_in_dim3A_683 = vector.broadcast %jit3A_682 : i32 to vector<16xi32>
      %select_n3A_684 = arith.select %eq3A_681, %broadcast_in_dim3A_683, %get3A_674 : vector<16xi1>, vector<16xi32>
      %swap3A_685 = arith.index_cast %rem3A_577 : i32 to index
      %swap3A_686 = arith.constant 48 : index
      %swap3A_687 = tpu.vector_load %arg11[%swap3A_685, %swap3A_686] {strides = array<i32>} : memref<2x128xi32, #tpu.memory_space<vmem>>, vector<1x16xi32>,
      %swap3A_688 = vector.shape_cast %swap3A_687 : vector<1x16xi32> to vector<16xi32>
      %swap3A_689 = vector.shape_cast %select_n3A_684 : vector<16xi32> to vector<1x16xi32>
      tpu.vector_store %arg11[%swap3A_685, %swap3A_686], %swap3A_689 {strides = array<i32>} : memref<2x128xi32, #tpu.memory_space<vmem>>, vector<1x16xi32>,
      %add3A_690 = arith.constant 64 : i32
      %add3A_691 = arith.addi %mul3A_607, %add3A_690 : i32
      %get3A_692 = arith.index_cast %rem3A_603 : i32 to index
      %get3A_693 = arith.index_cast %add3A_691 : i32 to index
      %get3A_694 = tpu.vector_load %arg9[%get3A_692, %get3A_693] {strides = array<i32>} : memref<3x768xi32, #tpu.memory_space<vmem>>, vector<1x16xi32>,
      %get3A_695 = vector.shape_cast %get3A_694 : vector<1x16xi32> to vector<16xi32>
      %add3A_696 = arith.constant 64 : i32
      %add3A_697 = arith.addi %mul3A_607, %add3A_696 : i32
      %get3A_698 = arith.index_cast %rem3A_603 : i32 to index
      %get3A_699 = arith.index_cast %add3A_697 : i32 to index
      %get3A_700 = tpu.vector_load %arg10[%get3A_698, %get3A_699] {strides = array<i32>} : memref<3x768xi32, #tpu.memory_space<vmem>>, vector<1x16xi32>,
      %get3A_701 = vector.shape_cast %get3A_700 : vector<1x16xi32> to vector<16xi32>
      %eq3A_702 = arith.cmpi eq, %get3A_695, %get3A_701 : vector<16xi32>
      %jit3A_703 = arith.constant 10000 : i32
      %broadcast_in_dim3A_704 = vector.broadcast %jit3A_703 : i32 to vector<16xi32>
      %select_n3A_705 = arith.select %eq3A_702, %broadcast_in_dim3A_704, %get3A_695 : vector<16xi1>, vector<16xi32>
      %swap3A_706 = arith.index_cast %rem3A_577 : i32 to index
      %swap3A_707 = arith.constant 64 : index
      %swap3A_708 = tpu.vector_load %arg11[%swap3A_706, %swap3A_707] {strides = array<i32>} : memref<2x128xi32, #tpu.memory_space<vmem>>, vector<1x16xi32>,
      %swap3A_709 = vector.shape_cast %swap3A_708 : vector<1x16xi32> to vector<16xi32>
      %swap3A_710 = vector.shape_cast %select_n3A_705 : vector<16xi32> to vector<1x16xi32>
      tpu.vector_store %arg11[%swap3A_706, %swap3A_707], %swap3A_710 {strides = array<i32>} : memref<2x128xi32, #tpu.memory_space<vmem>>, vector<1x16xi32>,
      %add3A_711 = arith.constant 80 : i32
      %add3A_712 = arith.addi %mul3A_607, %add3A_711 : i32
      %get3A_713 = arith.index_cast %rem3A_603 : i32 to index
      %get3A_714 = arith.index_cast %add3A_712 : i32 to index
      %get3A_715 = tpu.vector_load %arg9[%get3A_713, %get3A_714] {strides = array<i32>} : memref<3x768xi32, #tpu.memory_space<vmem>>, vector<1x16xi32>,
      %get3A_716 = vector.shape_cast %get3A_715 : vector<1x16xi32> to vector<16xi32>
      %add3A_717 = arith.constant 80 : i32
      %add3A_718 = arith.addi %mul3A_607, %add3A_717 : i32
      %get3A_719 = arith.index_cast %rem3A_603 : i32 to index
      %get3A_720 = arith.index_cast %add3A_718 : i32 to index
      %get3A_721 = tpu.vector_load %arg10[%get3A_719, %get3A_720] {strides = array<i32>} : memref<3x768xi32, #tpu.memory_space<vmem>>, vector<1x16xi32>,
      %get3A_722 = vector.shape_cast %get3A_721 : vector<1x16xi32> to vector<16xi32>
      %eq3A_723 = arith.cmpi eq, %get3A_716, %get3A_722 : vector<16xi32>
      %jit3A_724 = arith.constant 10000 : i32
      %broadcast_in_dim3A_725 = vector.broadcast %jit3A_724 : i32 to vector<16xi32>
      %select_n3A_726 = arith.select %eq3A_723, %broadcast_in_dim3A_725, %get3A_716 : vector<16xi1>, vector<16xi32>
      %swap3A_727 = arith.index_cast %rem3A_577 : i32 to index
      %swap3A_728 = arith.constant 80 : index
      %swap3A_729 = tpu.vector_load %arg11[%swap3A_727, %swap3A_728] {strides = array<i32>} : memref<2x128xi32, #tpu.memory_space<vmem>>, vector<1x16xi32>,
      %swap3A_730 = vector.shape_cast %swap3A_729 : vector<1x16xi32> to vector<16xi32>
      %swap3A_731 = vector.shape_cast %select_n3A_726 : vector<16xi32> to vector<1x16xi32>
      tpu.vector_store %arg11[%swap3A_727, %swap3A_728], %swap3A_731 {strides = array<i32>} : memref<2x128xi32, #tpu.memory_space<vmem>>, vector<1x16xi32>,
      %add3A_732 = arith.constant 96 : i32
      %add3A_733 = arith.addi %mul3A_607, %add3A_732 : i32
      %get3A_734 = arith.index_cast %rem3A_603 : i32 to index
      %get3A_735 = arith.index_cast %add3A_733 : i32 to index
      %get3A_736 = tpu.vector_load %arg9[%get3A_734, %get3A_735] {strides = array<i32>} : memref<3x768xi32, #tpu.memory_space<vmem>>, vector<1x16xi32>,
      %get3A_737 = vector.shape_cast %get3A_736 : vector<1x16xi32> to vector<16xi32>
      %add3A_738 = arith.constant 96 : i32
      %add3A_739 = arith.addi %mul3A_607, %add3A_738 : i32
      %get3A_740 = arith.index_cast %rem3A_603 : i32 to index
      %get3A_741 = arith.index_cast %add3A_739 : i32 to index
      %get3A_742 = tpu.vector_load %arg10[%get3A_740, %get3A_741] {strides = array<i32>} : memref<3x768xi32, #tpu.memory_space<vmem>>, vector<1x16xi32>,
      %get3A_743 = vector.shape_cast %get3A_742 : vector<1x16xi32> to vector<16xi32>
      %eq3A_744 = arith.cmpi eq, %get3A_737, %get3A_743 : vector<16xi32>
      %jit3A_745 = arith.constant 10000 : i32
      %broadcast_in_dim3A_746 = vector.broadcast %jit3A_745 : i32 to vector<16xi32>
      %select_n3A_747 = arith.select %eq3A_744, %broadcast_in_dim3A_746, %get3A_737 : vector<16xi1>, vector<16xi32>
      %swap3A_748 = arith.index_cast %rem3A_577 : i32 to index
      %swap3A_749 = arith.constant 96 : index
      %swap3A_750 = tpu.vector_load %arg11[%swap3A_748, %swap3A_749] {strides = array<i32>} : memref<2x128xi32, #tpu.memory_space<vmem>>, vector<1x16xi32>,
      %swap3A_751 = vector.shape_cast %swap3A_750 : vector<1x16xi32> to vector<16xi32>
      %swap3A_752 = vector.shape_cast %select_n3A_747 : vector<16xi32> to vector<1x16xi32>
      tpu.vector_store %arg11[%swap3A_748, %swap3A_749], %swap3A_752 {strides = array<i32>} : memref<2x128xi32, #tpu.memory_space<vmem>>, vector<1x16xi32>,
      %add3A_753 = arith.constant 112 : i32
      %add3A_754 = arith.addi %mul3A_607, %add3A_753 : i32
      %get3A_755 = arith.index_cast %rem3A_603 : i32 to index
      %get3A_756 = arith.index_cast %add3A_754 : i32 to index
      %get3A_757 = tpu.vector_load %arg9[%get3A_755, %get3A_756] {strides = array<i32>} : memref<3x768xi32, #tpu.memory_space<vmem>>, vector<1x16xi32>,
      %get3A_758 = vector.shape_cast %get3A_757 : vector<1x16xi32> to vector<16xi32>
      %add3A_759 = arith.constant 112 : i32
      %add3A_760 = arith.addi %mul3A_607, %add3A_759 : i32
      %get3A_761 = arith.index_cast %rem3A_603 : i32 to index
      %get3A_762 = arith.index_cast %add3A_760 : i32 to index
      %get3A_763 = tpu.vector_load %arg10[%get3A_761, %get3A_762] {strides = array<i32>} : memref<3x768xi32, #tpu.memory_space<vmem>>, vector<1x16xi32>,
      %get3A_764 = vector.shape_cast %get3A_763 : vector<1x16xi32> to vector<16xi32>
      %eq3A_765 = arith.cmpi eq, %get3A_758, %get3A_764 : vector<16xi32>
      %jit3A_766 = arith.constant 10000 : i32
      %broadcast_in_dim3A_767 = vector.broadcast %jit3A_766 : i32 to vector<16xi32>
      %select_n3A_768 = arith.select %eq3A_765, %broadcast_in_dim3A_767, %get3A_758 : vector<16xi1>, vector<16xi32>
      %swap3A_769 = arith.index_cast %rem3A_577 : i32 to index
      %swap3A_770 = arith.constant 112 : index
      %swap3A_771 = tpu.vector_load %arg11[%swap3A_769, %swap3A_770] {strides = array<i32>} : memref<2x128xi32, #tpu.memory_space<vmem>>, vector<1x16xi32>,
      %swap3A_772 = vector.shape_cast %swap3A_771 : vector<1x16xi32> to vector<16xi32>
      %swap3A_773 = vector.shape_cast %select_n3A_768 : vector<16xi32> to vector<1x16xi32>
      tpu.vector_store %arg11[%swap3A_769, %swap3A_770], %swap3A_773 {strides = array<i32>} : memref<2x128xi32, #tpu.memory_space<vmem>>, vector<1x16xi32>,
      %dma_start3A_774 = arith.constant 0 : i32
      %dma_start3A_775 = arith.constant 0 : i32
      %dma_start3A_776 = tpu.memref_slice %arg12[%rem3A_577, %dma_start3A_774, %dma_start3A_775] : memref<2x128x128xf32, #tpu.memory_space<vmem>> -> memref<1x128x128xf32, #tpu.memory_space<vmem>>
      %dma_start3A_777 = tpu.memref_squeeze %dma_start3A_776 : memref<1x128x128xf32, #tpu.memory_space<vmem>> -> memref<128x128xf32, #tpu.memory_space<vmem>>
      %dma_start3A_778 = tpu.memref_slice %arg10[%rem3A_603, %mul3A_607] : memref<3x768xi32, #tpu.memory_space<vmem>> -> memref<1x128xi32, #tpu.memory_space<vmem>>
      %dma_start3A_779 = tpu.memref_squeeze %dma_start3A_778 : memref<1x128xi32, #tpu.memory_space<vmem>> -> memref<128xi32, #tpu.memory_space<vmem>>
      %dma_start3A_780 = arith.constant 0 : i32
      %dma_start3A_781 = arith.constant 0 : i32
      %dma_start3A_782 = tpu.memref_slice %arg2[%dma_start3A_780, %dma_start3A_781] : memref<10000x128xf32, #tpu.memory_space<hbm>> -> memref<10000x128xf32, #tpu.memory_space<hbm>>
      %dma_start3A_783 = tpu.memref_slice %arg15[%rem3A_577] : memref<2x!tpu.dma_semaphore, #tpu.memory_space<semaphore_mem>> -> memref<1x!tpu.dma_semaphore, #tpu.memory_space<semaphore_mem>>
      %dma_start3A_784 = tpu.memref_squeeze %dma_start3A_783 : memref<1x!tpu.dma_semaphore, #tpu.memory_space<semaphore_mem>> -> memref<!tpu.dma_semaphore, #tpu.memory_space<semaphore_mem>>
      tpu.enqueue_indirect_dma source(%dma_start3A_782 : memref<10000x128xf32, #tpu.memory_space<hbm>>) target(%dma_start3A_777 : memref<128x128xf32, #tpu.memory_space<vmem>>) offsets(%dma_start3A_779 : memref<128xi32, #tpu.memory_space<vmem>>) semaphore(%dma_start3A_784 : memref<!tpu.dma_semaphore, #tpu.memory_space<semaphore_mem>>)
      %gt3A_785 = arith.constant 0 : i32
      %gt3A_786 = arith.cmpi sgt, %scan3A_539, %gt3A_785 : i32
      %convert_element_type3A_787 = arith.extui %gt3A_786 : i1 to i32
      %cond3A_788 = arith.constant 0 : i32
      %cond3A_789 = arith.cmpi ne, %convert_element_type3A_787, %cond3A_788 : i32
      scf.if %cond3A_789 {
        %sub3A_791 = arith.constant 1 : i32
        %sub3A_792 = arith.subi %scan3A_539, %sub3A_791 : i32
        %rem3A_793 = arith.constant 2 : i32
        %rem3A_794 = arith.remsi %sub3A_792, %rem3A_793 : i32
        %jit3A_795 = arith.constant 6 : i32
        %div3A_796 = arith.divsi %sub3A_792, %jit3A_795 : i32
        %sign3A_797 = arith.constant 0 : i32
        %sign3A_798 = arith.cmpi sgt, %sub3A_792, %sign3A_797 : i32
        %sign3A_799 = arith.extui %sign3A_798 : i1 to i32
        %sign3A_800 = arith.constant 0 : i32
        %sign3A_801 = arith.cmpi slt, %sub3A_792, %sign3A_800 : i32
        %sign3A_802 = arith.extui %sign3A_801 : i1 to i32
        %sign3A_803 = arith.subi %sign3A_799, %sign3A_802 : i32
        %sign3A_804 = arith.constant 0 : i32
        %sign3A_805 = arith.cmpi sgt, %jit3A_795, %sign3A_804 : i32
        %sign3A_806 = arith.extui %sign3A_805 : i1 to i32
        %sign3A_807 = arith.constant 0 : i32
        %sign3A_808 = arith.cmpi slt, %jit3A_795, %sign3A_807 : i32
        %sign3A_809 = arith.extui %sign3A_808 : i1 to i32
        %sign3A_810 = arith.subi %sign3A_806, %sign3A_809 : i32
        %ne3A_811 = arith.cmpi ne, %sign3A_803, %sign3A_810 : i32
        %rem3A_812 = arith.remsi %sub3A_792, %jit3A_795 : i32
        %ne3A_813 = arith.constant 0 : i32
        %ne3A_814 = arith.cmpi ne, %rem3A_812, %ne3A_813 : i32
        %and3A_815 = arith.andi %ne3A_811, %ne3A_814 : i1
        %sub3A_816 = arith.constant 1 : i32
        %sub3A_817 = arith.subi %div3A_796, %sub3A_816 : i32
        %select_n3A_818 = arith.select %and3A_815, %sub3A_817, %div3A_796 : i32
        %rem3A_819 = arith.constant 3 : i32
        %rem3A_820 = arith.remsi %select_n3A_818, %rem3A_819 : i32
        %rem3A_821 = arith.constant 6 : i32
        %rem3A_822 = arith.remsi %sub3A_792, %rem3A_821 : i32
        %mul3A_823 = arith.constant 128 : i32
        %mul3A_824 = arith.muli %rem3A_822, %mul3A_823 : i32
        %dma_wait3A_825 = arith.constant 0 : i32
        %dma_wait3A_826 = arith.constant 0 : i32
        %dma_wait3A_827 = tpu.memref_slice %arg12[%rem3A_794, %dma_wait3A_825, %dma_wait3A_826] : memref<2x128x128xf32, #tpu.memory_space<vmem>> -> memref<1x128x128xf32, #tpu.memory_space<vmem>>
        %dma_wait3A_828 = tpu.memref_squeeze %dma_wait3A_827 : memref<1x128x128xf32, #tpu.memory_space<vmem>> -> memref<128x128xf32, #tpu.memory_space<vmem>>
        %dma_wait3A_829 = tpu.memref_slice %arg10[%rem3A_820, %mul3A_824] : memref<3x768xi32, #tpu.memory_space<vmem>> -> memref<1x128xi32, #tpu.memory_space<vmem>>
        %dma_wait3A_830 = tpu.memref_squeeze %dma_wait3A_829 : memref<1x128xi32, #tpu.memory_space<vmem>> -> memref<128xi32, #tpu.memory_space<vmem>>
        %dma_wait3A_831 = arith.constant 0 : i32
        %dma_wait3A_832 = arith.constant 0 : i32
        %dma_wait3A_833 = tpu.memref_slice %arg2[%dma_wait3A_831, %dma_wait3A_832] : memref<10000x128xf32, #tpu.memory_space<hbm>> -> memref<10000x128xf32, #tpu.memory_space<hbm>>
        %dma_wait3A_834 = tpu.memref_slice %arg15[%rem3A_794] : memref<2x!tpu.dma_semaphore, #tpu.memory_space<semaphore_mem>> -> memref<1x!tpu.dma_semaphore, #tpu.memory_space<semaphore_mem>>
        %dma_wait3A_835 = tpu.memref_squeeze %dma_wait3A_834 : memref<1x!tpu.dma_semaphore, #tpu.memory_space<semaphore_mem>> -> memref<!tpu.dma_semaphore, #tpu.memory_space<semaphore_mem>>
        tpu.wait_indirect_dma semaphore(%dma_wait3A_835 : memref<!tpu.dma_semaphore, #tpu.memory_space<semaphore_mem>>) src(%dma_wait3A_833 : memref<10000x128xf32, #tpu.memory_space<hbm>>) dst(%dma_wait3A_828 : memref<128x128xf32, #tpu.memory_space<vmem>>)
        %sub3A_836 = arith.constant 1 : i32
        %sub3A_837 = arith.subi %scan3A_539, %sub3A_836 : i32
        %rem3A_838 = arith.constant 2 : i32
        %rem3A_839 = arith.remsi %sub3A_837, %rem3A_838 : i32
        %dma_start3A_840 = arith.constant 0 : i32
        %dma_start3A_841 = arith.constant 0 : i32
        %dma_start3A_842 = tpu.memref_slice %arg12[%rem3A_839, %dma_start3A_840, %dma_start3A_841] : memref<2x128x128xf32, #tpu.memory_space<vmem>> -> memref<1x128x128xf32, #tpu.memory_space<vmem>>
        %dma_start3A_843 = tpu.memref_squeeze %dma_start3A_842 : memref<1x128x128xf32, #tpu.memory_space<vmem>> -> memref<128x128xf32, #tpu.memory_space<vmem>>
        %dma_start3A_844 = arith.constant 0 : i32
        %dma_start3A_845 = tpu.memref_slice %arg11[%rem3A_839, %dma_start3A_844] : memref<2x128xi32, #tpu.memory_space<vmem>> -> memref<1x128xi32, #tpu.memory_space<vmem>>
        %dma_start3A_846 = tpu.memref_squeeze %dma_start3A_845 : memref<1x128xi32, #tpu.memory_space<vmem>> -> memref<128xi32, #tpu.memory_space<vmem>>
        %dma_start3A_847 = arith.constant 0 : i32
        %dma_start3A_848 = arith.constant 0 : i32
        %dma_start3A_849 = tpu.memref_slice %arg7[%dma_start3A_847, %dma_start3A_848] : memref<10112x128xf32, #tpu.memory_space<vmem_shared>> -> memref<10112x128xf32, #tpu.memory_space<vmem_shared>>
        %dma_start3A_850 = tpu.memref_slice %arg17[%rem3A_839] : memref<2x!tpu.dma_semaphore, #tpu.memory_space<semaphore_mem>> -> memref<1x!tpu.dma_semaphore, #tpu.memory_space<semaphore_mem>>
        %dma_start3A_851 = tpu.memref_squeeze %dma_start3A_850 : memref<1x!tpu.dma_semaphore, #tpu.memory_space<semaphore_mem>> -> memref<!tpu.dma_semaphore, #tpu.memory_space<semaphore_mem>>
        tpu.enqueue_indirect_dma source(%dma_start3A_843 : memref<128x128xf32, #tpu.memory_space<vmem>>) target(%dma_start3A_849 : memref<10112x128xf32, #tpu.memory_space<vmem_shared>>) offsets(%dma_start3A_846 : memref<128xi32, #tpu.memory_space<vmem>>) semaphore(%dma_start3A_851 : memref<!tpu.dma_semaphore, #tpu.memory_space<semaphore_mem>>) {add = true}
        %dma_start3A_852 = arith.constant 0 : i32
        %dma_start3A_853 = tpu.memref_slice %arg11[%rem3A_839, %dma_start3A_852] : memref<2x128xi32, #tpu.memory_space<vmem>> -> memref<1x128xi32, #tpu.memory_space<vmem>>
        %dma_start3A_854 = tpu.memref_squeeze %dma_start3A_853 : memref<1x128xi32, #tpu.memory_space<vmem>> -> memref<128xi32, #tpu.memory_space<vmem>>
        %dma_start3A_855 = arith.constant 0 : i32
        %dma_start3A_856 = arith.constant 0 : i32
        %dma_start3A_857 = tpu.memref_slice %arg8[%dma_start3A_855, %dma_start3A_856] : memref<10112x8xf32, #tpu.memory_space<vmem_shared>> -> memref<10112x8xf32, #tpu.memory_space<vmem_shared>>
        %dma_start3A_858 = tpu.memref_slice %arg17[%rem3A_839] : memref<2x!tpu.dma_semaphore, #tpu.memory_space<semaphore_mem>> -> memref<1x!tpu.dma_semaphore, #tpu.memory_space<semaphore_mem>>
        %dma_start3A_859 = tpu.memref_squeeze %dma_start3A_858 : memref<1x!tpu.dma_semaphore, #tpu.memory_space<semaphore_mem>> -> memref<!tpu.dma_semaphore, #tpu.memory_space<semaphore_mem>>
        tpu.enqueue_indirect_dma source(%arg13 : memref<128x8xf32, #tpu.memory_space<vmem>>) target(%dma_start3A_857 : memref<10112x8xf32, #tpu.memory_space<vmem_shared>>) offsets(%dma_start3A_854 : memref<128xi32, #tpu.memory_space<vmem>>) semaphore(%dma_start3A_859 : memref<!tpu.dma_semaphore, #tpu.memory_space<semaphore_mem>>) {add = true}
      } else {
      }
      %scan3A_790 = arith.constant 0 : i32
      scf.yield %scan3A_790 : i32
    }
    %scan3A_404 = arith.constant 78 : i32
    %rem3A_405 = arith.constant 77 : i32
    %rem3A_406 = arith.constant 2 : i32
    %rem3A_407 = arith.remsi %rem3A_405, %rem3A_406 : i32
    %rem3A_408 = arith.constant 12 : i32
    %rem3A_409 = arith.constant 3 : i32
    %rem3A_410 = arith.remsi %rem3A_408, %rem3A_409 : i32
    %rem3A_411 = arith.constant 77 : i32
    %rem3A_412 = arith.constant 6 : i32
    %rem3A_413 = arith.remsi %rem3A_411, %rem3A_412 : i32
    %mul3A_414 = arith.constant 128 : i32
    %mul3A_415 = arith.muli %rem3A_413, %mul3A_414 : i32
    %dma_wait3A_416 = arith.constant 0 : i32
    %dma_wait3A_417 = arith.constant 0 : i32
    %dma_wait3A_418 = tpu.memref_slice %arg12[%rem3A_407, %dma_wait3A_416, %dma_wait3A_417] : memref<2x128x128xf32, #tpu.memory_space<vmem>> -> memref<1x128x128xf32, #tpu.memory_space<vmem>>
    %dma_wait3A_419 = tpu.memref_squeeze %dma_wait3A_418 : memref<1x128x128xf32, #tpu.memory_space<vmem>> -> memref<128x128xf32, #tpu.memory_space<vmem>>
    %dma_wait3A_420 = tpu.memref_slice %arg10[%rem3A_410, %mul3A_415] : memref<3x768xi32, #tpu.memory_space<vmem>> -> memref<1x128xi32, #tpu.memory_space<vmem>>
    %dma_wait3A_421 = tpu.memref_squeeze %dma_wait3A_420 : memref<1x128xi32, #tpu.memory_space<vmem>> -> memref<128xi32, #tpu.memory_space<vmem>>
    %dma_wait3A_422 = arith.constant 0 : i32
    %dma_wait3A_423 = arith.constant 0 : i32
    %dma_wait3A_424 = tpu.memref_slice %arg2[%dma_wait3A_422, %dma_wait3A_423] : memref<10000x128xf32, #tpu.memory_space<hbm>> -> memref<10000x128xf32, #tpu.memory_space<hbm>>
    %dma_wait3A_425 = tpu.memref_slice %arg15[%rem3A_407] : memref<2x!tpu.dma_semaphore, #tpu.memory_space<semaphore_mem>> -> memref<1x!tpu.dma_semaphore, #tpu.memory_space<semaphore_mem>>
    %dma_wait3A_426 = tpu.memref_squeeze %dma_wait3A_425 : memref<1x!tpu.dma_semaphore, #tpu.memory_space<semaphore_mem>> -> memref<!tpu.dma_semaphore, #tpu.memory_space<semaphore_mem>>
    tpu.wait_indirect_dma semaphore(%dma_wait3A_426 : memref<!tpu.dma_semaphore, #tpu.memory_space<semaphore_mem>>) src(%dma_wait3A_424 : memref<10000x128xf32, #tpu.memory_space<hbm>>) dst(%dma_wait3A_419 : memref<128x128xf32, #tpu.memory_space<vmem>>)
    %rem3A_427 = arith.constant 77 : i32
    %rem3A_428 = arith.constant 2 : i32
    %rem3A_429 = arith.remsi %rem3A_427, %rem3A_428 : i32
    %dma_start3A_430 = arith.constant 0 : i32
    %dma_start3A_431 = arith.constant 0 : i32
    %dma_start3A_432 = tpu.memref_slice %arg12[%rem3A_429, %dma_start3A_430, %dma_start3A_431] : memref<2x128x128xf32, #tpu.memory_space<vmem>> -> memref<1x128x128xf32, #tpu.memory_space<vmem>>
    %dma_start3A_433 = tpu.memref_squeeze %dma_start3A_432 : memref<1x128x128xf32, #tpu.memory_space<vmem>> -> memref<128x128xf32, #tpu.memory_space<vmem>>
    %dma_start3A_434 = arith.constant 0 : i32
    %dma_start3A_435 = tpu.memref_slice %arg11[%rem3A_429, %dma_start3A_434] : memref<2x128xi32, #tpu.memory_space<vmem>> -> memref<1x128xi32, #tpu.memory_space<vmem>>
    %dma_start3A_436 = tpu.memref_squeeze %dma_start3A_435 : memref<1x128xi32, #tpu.memory_space<vmem>> -> memref<128xi32, #tpu.memory_space<vmem>>
    %dma_start3A_437 = arith.constant 0 : i32
    %dma_start3A_438 = arith.constant 0 : i32
    %dma_start3A_439 = tpu.memref_slice %arg7[%dma_start3A_437, %dma_start3A_438] : memref<10112x128xf32, #tpu.memory_space<vmem_shared>> -> memref<10112x128xf32, #tpu.memory_space<vmem_shared>>
    %dma_start3A_440 = tpu.memref_slice %arg17[%rem3A_429] : memref<2x!tpu.dma_semaphore, #tpu.memory_space<semaphore_mem>> -> memref<1x!tpu.dma_semaphore, #tpu.memory_space<semaphore_mem>>
    %dma_start3A_441 = tpu.memref_squeeze %dma_start3A_440 : memref<1x!tpu.dma_semaphore, #tpu.memory_space<semaphore_mem>> -> memref<!tpu.dma_semaphore, #tpu.memory_space<semaphore_mem>>
    tpu.enqueue_indirect_dma source(%dma_start3A_433 : memref<128x128xf32, #tpu.memory_space<vmem>>) target(%dma_start3A_439 : memref<10112x128xf32, #tpu.memory_space<vmem_shared>>) offsets(%dma_start3A_436 : memref<128xi32, #tpu.memory_space<vmem>>) semaphore(%dma_start3A_441 : memref<!tpu.dma_semaphore, #tpu.memory_space<semaphore_mem>>) {add = true}
    %dma_start3A_442 = arith.constant 0 : i32
    %dma_start3A_443 = tpu.memref_slice %arg11[%rem3A_429, %dma_start3A_442] : memref<2x128xi32, #tpu.memory_space<vmem>> -> memref<1x128xi32, #tpu.memory_space<vmem>>
    %dma_start3A_444 = tpu.memref_squeeze %dma_start3A_443 : memref<1x128xi32, #tpu.memory_space<vmem>> -> memref<128xi32, #tpu.memory_space<vmem>>
    %dma_start3A_445 = arith.constant 0 : i32
    %dma_start3A_446 = arith.constant 0 : i32
    %dma_start3A_447 = tpu.memref_slice %arg8[%dma_start3A_445, %dma_start3A_446] : memref<10112x8xf32, #tpu.memory_space<vmem_shared>> -> memref<10112x8xf32, #tpu.memory_space<vmem_shared>>
    %dma_start3A_448 = tpu.memref_slice %arg17[%rem3A_429] : memref<2x!tpu.dma_semaphore, #tpu.memory_space<semaphore_mem>> -> memref<1x!tpu.dma_semaphore, #tpu.memory_space<semaphore_mem>>
    %dma_start3A_449 = tpu.memref_squeeze %dma_start3A_448 : memref<1x!tpu.dma_semaphore, #tpu.memory_space<semaphore_mem>> -> memref<!tpu.dma_semaphore, #tpu.memory_space<semaphore_mem>>
    tpu.enqueue_indirect_dma source(%arg13 : memref<128x8xf32, #tpu.memory_space<vmem>>) target(%dma_start3A_447 : memref<10112x8xf32, #tpu.memory_space<vmem_shared>>) offsets(%dma_start3A_444 : memref<128xi32, #tpu.memory_space<vmem>>) semaphore(%dma_start3A_449 : memref<!tpu.dma_semaphore, #tpu.memory_space<semaphore_mem>>) {add = true}
    %rem3A_450 = arith.constant 76 : i32
    %rem3A_451 = arith.constant 2 : i32
    %rem3A_452 = arith.remsi %rem3A_450, %rem3A_451 : i32
    %dma_wait3A_453 = arith.constant 0 : i32
    %dma_wait3A_454 = arith.constant 0 : i32
    %dma_wait3A_455 = tpu.memref_slice %arg12[%rem3A_452, %dma_wait3A_453, %dma_wait3A_454] : memref<2x128x128xf32, #tpu.memory_space<vmem>> -> memref<1x128x128xf32, #tpu.memory_space<vmem>>
    %dma_wait3A_456 = tpu.memref_squeeze %dma_wait3A_455 : memref<1x128x128xf32, #tpu.memory_space<vmem>> -> memref<128x128xf32, #tpu.memory_space<vmem>>
    %dma_wait3A_457 = arith.constant 0 : i32
    %dma_wait3A_458 = arith.constant 0 : i32
    %dma_wait3A_459 = tpu.memref_slice %arg7[%dma_wait3A_457, %dma_wait3A_458] : memref<10112x128xf32, #tpu.memory_space<vmem_shared>> -> memref<128x128xf32, #tpu.memory_space<vmem_shared>>
    %dma_wait3A_460 = tpu.memref_slice %arg17[%rem3A_452] : memref<2x!tpu.dma_semaphore, #tpu.memory_space<semaphore_mem>> -> memref<1x!tpu.dma_semaphore, #tpu.memory_space<semaphore_mem>>
    %dma_wait3A_461 = tpu.memref_squeeze %dma_wait3A_460 : memref<1x!tpu.dma_semaphore, #tpu.memory_space<semaphore_mem>> -> memref<!tpu.dma_semaphore, #tpu.memory_space<semaphore_mem>>
    %dma_wait3A_462 = arith.constant 0 : i32
    %dma_wait3A_463 = arith.constant 0 : i32
    %dma_wait3A_464 = tpu.memref_slice %arg7[%dma_wait3A_462, %dma_wait3A_463] : memref<10112x128xf32, #tpu.memory_space<vmem_shared>> -> memref<128x128xf32, #tpu.memory_space<vmem_shared>>
    %dma_wait3A_465 = arith.constant 0 : i32
    %dma_wait3A_466 = arith.constant 0 : i32
    %dma_wait3A_467 = tpu.memref_slice %arg12[%rem3A_452, %dma_wait3A_465, %dma_wait3A_466] : memref<2x128x128xf32, #tpu.memory_space<vmem>> -> memref<1x128x128xf32, #tpu.memory_space<vmem>>
    %dma_wait3A_468 = tpu.memref_squeeze %dma_wait3A_467 : memref<1x128x128xf32, #tpu.memory_space<vmem>> -> memref<128x128xf32, #tpu.memory_space<vmem>>
    tpu.wait_dma2 semaphore(%dma_wait3A_461 : memref<!tpu.dma_semaphore, #tpu.memory_space<semaphore_mem>>) src(%dma_wait3A_468 : memref<128x128xf32, #tpu.memory_space<vmem>>) dst(%dma_wait3A_464 : memref<128x128xf32, #tpu.memory_space<vmem_shared>>)
    %dma_wait3A_469 = arith.constant 0 : i32
    %dma_wait3A_470 = arith.constant 0 : i32
    %dma_wait3A_471 = tpu.memref_slice %arg8[%dma_wait3A_469, %dma_wait3A_470] : memref<10112x8xf32, #tpu.memory_space<vmem_shared>> -> memref<128x8xf32, #tpu.memory_space<vmem_shared>>
    %dma_wait3A_472 = tpu.memref_slice %arg17[%rem3A_452] : memref<2x!tpu.dma_semaphore, #tpu.memory_space<semaphore_mem>> -> memref<1x!tpu.dma_semaphore, #tpu.memory_space<semaphore_mem>>
    %dma_wait3A_473 = tpu.memref_squeeze %dma_wait3A_472 : memref<1x!tpu.dma_semaphore, #tpu.memory_space<semaphore_mem>> -> memref<!tpu.dma_semaphore, #tpu.memory_space<semaphore_mem>>
    %dma_wait3A_474 = arith.constant 0 : i32
    %dma_wait3A_475 = arith.constant 0 : i32
    %dma_wait3A_476 = tpu.memref_slice %arg8[%dma_wait3A_474, %dma_wait3A_475] : memref<10112x8xf32, #tpu.memory_space<vmem_shared>> -> memref<128x8xf32, #tpu.memory_space<vmem_shared>>
    tpu.wait_dma2 semaphore(%dma_wait3A_473 : memref<!tpu.dma_semaphore, #tpu.memory_space<semaphore_mem>>) src(%arg13 : memref<128x8xf32, #tpu.memory_space<vmem>>) dst(%dma_wait3A_476 : memref<128x8xf32, #tpu.memory_space<vmem_shared>>)
    %rem3A_477 = arith.constant 77 : i32
    %rem3A_478 = arith.constant 2 : i32
    %rem3A_479 = arith.remsi %rem3A_477, %rem3A_478 : i32
    %dma_wait3A_480 = arith.constant 0 : i32
    %dma_wait3A_481 = arith.constant 0 : i32
    %dma_wait3A_482 = tpu.memref_slice %arg12[%rem3A_479, %dma_wait3A_480, %dma_wait3A_481] : memref<2x128x128xf32, #tpu.memory_space<vmem>> -> memref<1x128x128xf32, #tpu.memory_space<vmem>>
    %dma_wait3A_483 = tpu.memref_squeeze %dma_wait3A_482 : memref<1x128x128xf32, #tpu.memory_space<vmem>> -> memref<128x128xf32, #tpu.memory_space<vmem>>
    %dma_wait3A_484 = arith.constant 0 : i32
    %dma_wait3A_485 = arith.constant 0 : i32
    %dma_wait3A_486 = tpu.memref_slice %arg7[%dma_wait3A_484, %dma_wait3A_485] : memref<10112x128xf32, #tpu.memory_space<vmem_shared>> -> memref<128x128xf32, #tpu.memory_space<vmem_shared>>
    %dma_wait3A_487 = tpu.memref_slice %arg17[%rem3A_479] : memref<2x!tpu.dma_semaphore, #tpu.memory_space<semaphore_mem>> -> memref<1x!tpu.dma_semaphore, #tpu.memory_space<semaphore_mem>>
    %dma_wait3A_488 = tpu.memref_squeeze %dma_wait3A_487 : memref<1x!tpu.dma_semaphore, #tpu.memory_space<semaphore_mem>> -> memref<!tpu.dma_semaphore, #tpu.memory_space<semaphore_mem>>
    %dma_wait3A_489 = arith.constant 0 : i32
    %dma_wait3A_490 = arith.constant 0 : i32
    %dma_wait3A_491 = tpu.memref_slice %arg7[%dma_wait3A_489, %dma_wait3A_490] : memref<10112x128xf32, #tpu.memory_space<vmem_shared>> -> memref<128x128xf32, #tpu.memory_space<vmem_shared>>
    %dma_wait3A_492 = arith.constant 0 : i32
    %dma_wait3A_493 = arith.constant 0 : i32
    %dma_wait3A_494 = tpu.memref_slice %arg12[%rem3A_479, %dma_wait3A_492, %dma_wait3A_493] : memref<2x128x128xf32, #tpu.memory_space<vmem>> -> memref<1x128x128xf32, #tpu.memory_space<vmem>>
    %dma_wait3A_495 = tpu.memref_squeeze %dma_wait3A_494 : memref<1x128x128xf32, #tpu.memory_space<vmem>> -> memref<128x128xf32, #tpu.memory_space<vmem>>
    tpu.wait_dma2 semaphore(%dma_wait3A_488 : memref<!tpu.dma_semaphore, #tpu.memory_space<semaphore_mem>>) src(%dma_wait3A_495 : memref<128x128xf32, #tpu.memory_space<vmem>>) dst(%dma_wait3A_491 : memref<128x128xf32, #tpu.memory_space<vmem_shared>>)
    %dma_wait3A_496 = arith.constant 0 : i32
    %dma_wait3A_497 = arith.constant 0 : i32
    %dma_wait3A_498 = tpu.memref_slice %arg8[%dma_wait3A_496, %dma_wait3A_497] : memref<10112x8xf32, #tpu.memory_space<vmem_shared>> -> memref<128x8xf32, #tpu.memory_space<vmem_shared>>
    %dma_wait3A_499 = tpu.memref_slice %arg17[%rem3A_479] : memref<2x!tpu.dma_semaphore, #tpu.memory_space<semaphore_mem>> -> memref<1x!tpu.dma_semaphore, #tpu.memory_space<semaphore_mem>>
    %dma_wait3A_500 = tpu.memref_squeeze %dma_wait3A_499 : memref<1x!tpu.dma_semaphore, #tpu.memory_space<semaphore_mem>> -> memref<!tpu.dma_semaphore, #tpu.memory_space<semaphore_mem>>
    %dma_wait3A_501 = arith.constant 0 : i32
    %dma_wait3A_502 = arith.constant 0 : i32
    %dma_wait3A_503 = tpu.memref_slice %arg8[%dma_wait3A_501, %dma_wait3A_502] : memref<10112x8xf32, #tpu.memory_space<vmem_shared>> -> memref<128x8xf32, #tpu.memory_space<vmem_shared>>
    tpu.wait_dma2 semaphore(%dma_wait3A_500 : memref<!tpu.dma_semaphore, #tpu.memory_space<semaphore_mem>>) src(%arg13 : memref<128x8xf32, #tpu.memory_space<vmem>>) dst(%dma_wait3A_503 : memref<128x8xf32, #tpu.memory_space<vmem_shared>>)
    %lt3A = arith.constant 4 : i32
    %lt3A_504 = arith.cmpi slt, %add3A, %lt3A : i32
    %convert_element_type3A = arith.extui %lt3A_504 : i1 to i32
    %cond3A = arith.constant 0 : i32
    %cond3A_505 = arith.cmpi ne, %convert_element_type3A, %cond3A : i32
    scf.if %cond3A_505 {
      %add3A_539 = arith.constant 2496 : i32
      %add3A_540 = arith.addi %add3A_539, %add3A : i32
      %mul3A_541 = arith.constant 128 : i32
      %mul3A_542 = arith.muli %add3A_540, %mul3A_541 : i32
      %run_scoped3A = arith.constant 0 : i32
      "tpu.region"() ({
        %run_scoped3A_734 = tpu.sem_alloc : memref<!tpu.dma_semaphore, #tpu.memory_space<semaphore_mem>>
        %dma_start3A_735 = arith.constant 0 : i32
        %dma_start3A_736 = tpu.memref_slice %arg9[%run_scoped3A, %dma_start3A_735] : memref<3x768xi32, #tpu.memory_space<vmem>> -> memref<1x128xi32, #tpu.memory_space<vmem>>
        %dma_start3A_737 = tpu.memref_squeeze %dma_start3A_736 : memref<1x128xi32, #tpu.memory_space<vmem>> -> memref<128xi32, #tpu.memory_space<vmem>>
        %dma_start3A_738 = tpu.memref_slice %arg3[%mul3A_542] : memref<640000xi32, #tpu.memory_space<hbm>> -> memref<128xi32, #tpu.memory_space<hbm>>
        %dma_start3A_739 = arith.constant 0 : i32
        %dma_start3A_740 = tpu.memref_slice %arg9[%run_scoped3A, %dma_start3A_739] : memref<3x768xi32, #tpu.memory_space<vmem>> -> memref<1x128xi32, #tpu.memory_space<vmem>>
        %dma_start3A_741 = tpu.memref_squeeze %dma_start3A_740 : memref<1x128xi32, #tpu.memory_space<vmem>> -> memref<128xi32, #tpu.memory_space<vmem>>
        %dma_start3A_742 = tpu.memref_slice %arg3[%mul3A_542] : memref<640000xi32, #tpu.memory_space<hbm>> -> memref<128xi32, #tpu.memory_space<hbm>>
        tpu.enqueue_dma source(%dma_start3A_742 : memref<128xi32, #tpu.memory_space<hbm>>) target(%dma_start3A_741 : memref<128xi32, #tpu.memory_space<vmem>>) target_semaphore(%run_scoped3A_734 : memref<!tpu.dma_semaphore, #tpu.memory_space<semaphore_mem>>)
        %dma_wait3A_743 = arith.constant 0 : i32
        %dma_wait3A_744 = tpu.memref_slice %arg9[%run_scoped3A, %dma_wait3A_743] : memref<3x768xi32, #tpu.memory_space<vmem>> -> memref<1x128xi32, #tpu.memory_space<vmem>>
        %dma_wait3A_745 = tpu.memref_squeeze %dma_wait3A_744 : memref<1x128xi32, #tpu.memory_space<vmem>> -> memref<128xi32, #tpu.memory_space<vmem>>
        %dma_wait3A_746 = tpu.memref_slice %arg3[%mul3A_542] : memref<640000xi32, #tpu.memory_space<hbm>> -> memref<128xi32, #tpu.memory_space<hbm>>
        %dma_wait3A_747 = arith.constant 0 : i32
        %dma_wait3A_748 = tpu.memref_slice %arg9[%run_scoped3A, %dma_wait3A_747] : memref<3x768xi32, #tpu.memory_space<vmem>> -> memref<1x128xi32, #tpu.memory_space<vmem>>
        %dma_wait3A_749 = tpu.memref_squeeze %dma_wait3A_748 : memref<1x128xi32, #tpu.memory_space<vmem>> -> memref<128xi32, #tpu.memory_space<vmem>>
        %dma_wait3A_750 = tpu.memref_slice %arg3[%mul3A_542] : memref<640000xi32, #tpu.memory_space<hbm>> -> memref<128xi32, #tpu.memory_space<hbm>>
        tpu.wait_dma2 semaphore(%run_scoped3A_734 : memref<!tpu.dma_semaphore, #tpu.memory_space<semaphore_mem>>) src(%dma_wait3A_750 : memref<128xi32, #tpu.memory_space<hbm>>) dst(%dma_wait3A_749 : memref<128xi32, #tpu.memory_space<vmem>>)
        tpu.yield
      }) : () -> ()
      %add3A_543 = arith.constant 320000 : i32
      %add3A_544 = arith.addi %add3A_543, %mul3A_542 : i32
      %run_scoped3A_545 = arith.constant 0 : i32
      "tpu.region"() ({
        %run_scoped3A_734 = tpu.sem_alloc : memref<!tpu.dma_semaphore, #tpu.memory_space<semaphore_mem>>
        %dma_start3A_735 = arith.constant 0 : i32
        %dma_start3A_736 = tpu.memref_slice %arg10[%run_scoped3A_545, %dma_start3A_735] : memref<3x768xi32, #tpu.memory_space<vmem>> -> memref<1x128xi32, #tpu.memory_space<vmem>>
        %dma_start3A_737 = tpu.memref_squeeze %dma_start3A_736 : memref<1x128xi32, #tpu.memory_space<vmem>> -> memref<128xi32, #tpu.memory_space<vmem>>
        %dma_start3A_738 = tpu.memref_slice %arg3[%add3A_544] : memref<640000xi32, #tpu.memory_space<hbm>> -> memref<128xi32, #tpu.memory_space<hbm>>
        %dma_start3A_739 = arith.constant 0 : i32
        %dma_start3A_740 = tpu.memref_slice %arg10[%run_scoped3A_545, %dma_start3A_739] : memref<3x768xi32, #tpu.memory_space<vmem>> -> memref<1x128xi32, #tpu.memory_space<vmem>>
        %dma_start3A_741 = tpu.memref_squeeze %dma_start3A_740 : memref<1x128xi32, #tpu.memory_space<vmem>> -> memref<128xi32, #tpu.memory_space<vmem>>
        %dma_start3A_742 = tpu.memref_slice %arg3[%add3A_544] : memref<640000xi32, #tpu.memory_space<hbm>> -> memref<128xi32, #tpu.memory_space<hbm>>
        tpu.enqueue_dma source(%dma_start3A_742 : memref<128xi32, #tpu.memory_space<hbm>>) target(%dma_start3A_741 : memref<128xi32, #tpu.memory_space<vmem>>) target_semaphore(%run_scoped3A_734 : memref<!tpu.dma_semaphore, #tpu.memory_space<semaphore_mem>>)
        %dma_wait3A_743 = arith.constant 0 : i32
        %dma_wait3A_744 = tpu.memref_slice %arg10[%run_scoped3A_545, %dma_wait3A_743] : memref<3x768xi32, #tpu.memory_space<vmem>> -> memref<1x128xi32, #tpu.memory_space<vmem>>
        %dma_wait3A_745 = tpu.memref_squeeze %dma_wait3A_744 : memref<1x128xi32, #tpu.memory_space<vmem>> -> memref<128xi32, #tpu.memory_space<vmem>>
        %dma_wait3A_746 = tpu.memref_slice %arg3[%add3A_544] : memref<640000xi32, #tpu.memory_space<hbm>> -> memref<128xi32, #tpu.memory_space<hbm>>
        %dma_wait3A_747 = arith.constant 0 : i32
        %dma_wait3A_748 = tpu.memref_slice %arg10[%run_scoped3A_545, %dma_wait3A_747] : memref<3x768xi32, #tpu.memory_space<vmem>> -> memref<1x128xi32, #tpu.memory_space<vmem>>
        %dma_wait3A_749 = tpu.memref_squeeze %dma_wait3A_748 : memref<1x128xi32, #tpu.memory_space<vmem>> -> memref<128xi32, #tpu.memory_space<vmem>>
        %dma_wait3A_750 = tpu.memref_slice %arg3[%add3A_544] : memref<640000xi32, #tpu.memory_space<hbm>> -> memref<128xi32, #tpu.memory_space<hbm>>
        tpu.wait_dma2 semaphore(%run_scoped3A_734 : memref<!tpu.dma_semaphore, #tpu.memory_space<semaphore_mem>>) src(%dma_wait3A_750 : memref<128xi32, #tpu.memory_space<hbm>>) dst(%dma_wait3A_749 : memref<128xi32, #tpu.memory_space<vmem>>)
        tpu.yield
      }) : () -> ()
      %get3A = arith.constant 0 : i32
      %get3A_546 = arith.index_cast %get3A : i32 to index
      %get3A_547 = arith.constant 0 : index
      %get3A_548 = tpu.vector_load %arg9[%get3A_546, %get3A_547] {strides = array<i32>} : memref<3x768xi32, #tpu.memory_space<vmem>>, vector<1x16xi32>,
      %get3A_549 = vector.shape_cast %get3A_548 : vector<1x16xi32> to vector<16xi32>
      %get3A_550 = arith.constant 0 : i32
      %get3A_551 = arith.index_cast %get3A_550 : i32 to index
      %get3A_552 = arith.constant 0 : index
      %get3A_553 = tpu.vector_load %arg10[%get3A_551, %get3A_552] {strides = array<i32>} : memref<3x768xi32, #tpu.memory_space<vmem>>, vector<1x16xi32>,
      %get3A_554 = vector.shape_cast %get3A_553 : vector<1x16xi32> to vector<16xi32>
      %eq3A = arith.cmpi eq, %get3A_549, %get3A_554 : vector<16xi32>
      %jit3A = arith.constant 10000 : i32
      %broadcast_in_dim3A_555 = vector.broadcast %jit3A : i32 to vector<16xi32>
      %select_n3A = arith.select %eq3A, %broadcast_in_dim3A_555, %get3A_549 : vector<16xi1>, vector<16xi32>
      %swap3A = arith.constant 0 : i32
      %swap3A_556 = arith.index_cast %swap3A : i32 to index
      %swap3A_557 = arith.constant 0 : index
      %swap3A_558 = tpu.vector_load %arg11[%swap3A_556, %swap3A_557] {strides = array<i32>} : memref<2x128xi32, #tpu.memory_space<vmem>>, vector<1x16xi32>,
      %swap3A_559 = vector.shape_cast %swap3A_558 : vector<1x16xi32> to vector<16xi32>
      %swap3A_560 = vector.shape_cast %select_n3A : vector<16xi32> to vector<1x16xi32>
      tpu.vector_store %arg11[%swap3A_556, %swap3A_557], %swap3A_560 {strides = array<i32>} : memref<2x128xi32, #tpu.memory_space<vmem>>, vector<1x16xi32>,
      %get3A_561 = arith.constant 0 : i32
      %get3A_562 = arith.index_cast %get3A_561 : i32 to index
      %get3A_563 = arith.constant 16 : index
      %get3A_564 = tpu.vector_load %arg9[%get3A_562, %get3A_563] {strides = array<i32>} : memref<3x768xi32, #tpu.memory_space<vmem>>, vector<1x16xi32>,
      %get3A_565 = vector.shape_cast %get3A_564 : vector<1x16xi32> to vector<16xi32>
      %get3A_566 = arith.constant 0 : i32
      %get3A_567 = arith.index_cast %get3A_566 : i32 to index
      %get3A_568 = arith.constant 16 : index
      %get3A_569 = tpu.vector_load %arg10[%get3A_567, %get3A_568] {strides = array<i32>} : memref<3x768xi32, #tpu.memory_space<vmem>>, vector<1x16xi32>,
      %get3A_570 = vector.shape_cast %get3A_569 : vector<1x16xi32> to vector<16xi32>
      %eq3A_571 = arith.cmpi eq, %get3A_565, %get3A_570 : vector<16xi32>
      %jit3A_572 = arith.constant 10000 : i32
      %broadcast_in_dim3A_573 = vector.broadcast %jit3A_572 : i32 to vector<16xi32>
      %select_n3A_574 = arith.select %eq3A_571, %broadcast_in_dim3A_573, %get3A_565 : vector<16xi1>, vector<16xi32>
      %swap3A_575 = arith.constant 0 : i32
      %swap3A_576 = arith.index_cast %swap3A_575 : i32 to index
      %swap3A_577 = arith.constant 16 : index
      %swap3A_578 = tpu.vector_load %arg11[%swap3A_576, %swap3A_577] {strides = array<i32>} : memref<2x128xi32, #tpu.memory_space<vmem>>, vector<1x16xi32>,
      %swap3A_579 = vector.shape_cast %swap3A_578 : vector<1x16xi32> to vector<16xi32>
      %swap3A_580 = vector.shape_cast %select_n3A_574 : vector<16xi32> to vector<1x16xi32>
      tpu.vector_store %arg11[%swap3A_576, %swap3A_577], %swap3A_580 {strides = array<i32>} : memref<2x128xi32, #tpu.memory_space<vmem>>, vector<1x16xi32>,
      %get3A_581 = arith.constant 0 : i32
      %get3A_582 = arith.index_cast %get3A_581 : i32 to index
      %get3A_583 = arith.constant 32 : index
      %get3A_584 = tpu.vector_load %arg9[%get3A_582, %get3A_583] {strides = array<i32>} : memref<3x768xi32, #tpu.memory_space<vmem>>, vector<1x16xi32>,
      %get3A_585 = vector.shape_cast %get3A_584 : vector<1x16xi32> to vector<16xi32>
      %get3A_586 = arith.constant 0 : i32
      %get3A_587 = arith.index_cast %get3A_586 : i32 to index
      %get3A_588 = arith.constant 32 : index
      %get3A_589 = tpu.vector_load %arg10[%get3A_587, %get3A_588] {strides = array<i32>} : memref<3x768xi32, #tpu.memory_space<vmem>>, vector<1x16xi32>,
      %get3A_590 = vector.shape_cast %get3A_589 : vector<1x16xi32> to vector<16xi32>
      %eq3A_591 = arith.cmpi eq, %get3A_585, %get3A_590 : vector<16xi32>
      %jit3A_592 = arith.constant 10000 : i32
      %broadcast_in_dim3A_593 = vector.broadcast %jit3A_592 : i32 to vector<16xi32>
      %select_n3A_594 = arith.select %eq3A_591, %broadcast_in_dim3A_593, %get3A_585 : vector<16xi1>, vector<16xi32>
      %swap3A_595 = arith.constant 0 : i32
      %swap3A_596 = arith.index_cast %swap3A_595 : i32 to index
      %swap3A_597 = arith.constant 32 : index
      %swap3A_598 = tpu.vector_load %arg11[%swap3A_596, %swap3A_597] {strides = array<i32>} : memref<2x128xi32, #tpu.memory_space<vmem>>, vector<1x16xi32>,
      %swap3A_599 = vector.shape_cast %swap3A_598 : vector<1x16xi32> to vector<16xi32>
      %swap3A_600 = vector.shape_cast %select_n3A_594 : vector<16xi32> to vector<1x16xi32>
      tpu.vector_store %arg11[%swap3A_596, %swap3A_597], %swap3A_600 {strides = array<i32>} : memref<2x128xi32, #tpu.memory_space<vmem>>, vector<1x16xi32>,
      %get3A_601 = arith.constant 0 : i32
      %get3A_602 = arith.index_cast %get3A_601 : i32 to index
      %get3A_603 = arith.constant 48 : index
      %get3A_604 = tpu.vector_load %arg9[%get3A_602, %get3A_603] {strides = array<i32>} : memref<3x768xi32, #tpu.memory_space<vmem>>, vector<1x16xi32>,
      %get3A_605 = vector.shape_cast %get3A_604 : vector<1x16xi32> to vector<16xi32>
      %get3A_606 = arith.constant 0 : i32
      %get3A_607 = arith.index_cast %get3A_606 : i32 to index
      %get3A_608 = arith.constant 48 : index
      %get3A_609 = tpu.vector_load %arg10[%get3A_607, %get3A_608] {strides = array<i32>} : memref<3x768xi32, #tpu.memory_space<vmem>>, vector<1x16xi32>,
      %get3A_610 = vector.shape_cast %get3A_609 : vector<1x16xi32> to vector<16xi32>
      %eq3A_611 = arith.cmpi eq, %get3A_605, %get3A_610 : vector<16xi32>
      %jit3A_612 = arith.constant 10000 : i32
      %broadcast_in_dim3A_613 = vector.broadcast %jit3A_612 : i32 to vector<16xi32>
      %select_n3A_614 = arith.select %eq3A_611, %broadcast_in_dim3A_613, %get3A_605 : vector<16xi1>, vector<16xi32>
      %swap3A_615 = arith.constant 0 : i32
      %swap3A_616 = arith.index_cast %swap3A_615 : i32 to index
      %swap3A_617 = arith.constant 48 : index
      %swap3A_618 = tpu.vector_load %arg11[%swap3A_616, %swap3A_617] {strides = array<i32>} : memref<2x128xi32, #tpu.memory_space<vmem>>, vector<1x16xi32>,
      %swap3A_619 = vector.shape_cast %swap3A_618 : vector<1x16xi32> to vector<16xi32>
      %swap3A_620 = vector.shape_cast %select_n3A_614 : vector<16xi32> to vector<1x16xi32>
      tpu.vector_store %arg11[%swap3A_616, %swap3A_617], %swap3A_620 {strides = array<i32>} : memref<2x128xi32, #tpu.memory_space<vmem>>, vector<1x16xi32>,
      %get3A_621 = arith.constant 0 : i32
      %get3A_622 = arith.index_cast %get3A_621 : i32 to index
      %get3A_623 = arith.constant 64 : index
      %get3A_624 = tpu.vector_load %arg9[%get3A_622, %get3A_623] {strides = array<i32>} : memref<3x768xi32, #tpu.memory_space<vmem>>, vector<1x16xi32>,
      %get3A_625 = vector.shape_cast %get3A_624 : vector<1x16xi32> to vector<16xi32>
      %get3A_626 = arith.constant 0 : i32
      %get3A_627 = arith.index_cast %get3A_626 : i32 to index
      %get3A_628 = arith.constant 64 : index
      %get3A_629 = tpu.vector_load %arg10[%get3A_627, %get3A_628] {strides = array<i32>} : memref<3x768xi32, #tpu.memory_space<vmem>>, vector<1x16xi32>,
      %get3A_630 = vector.shape_cast %get3A_629 : vector<1x16xi32> to vector<16xi32>
      %eq3A_631 = arith.cmpi eq, %get3A_625, %get3A_630 : vector<16xi32>
      %jit3A_632 = arith.constant 10000 : i32
      %broadcast_in_dim3A_633 = vector.broadcast %jit3A_632 : i32 to vector<16xi32>
      %select_n3A_634 = arith.select %eq3A_631, %broadcast_in_dim3A_633, %get3A_625 : vector<16xi1>, vector<16xi32>
      %swap3A_635 = arith.constant 0 : i32
      %swap3A_636 = arith.index_cast %swap3A_635 : i32 to index
      %swap3A_637 = arith.constant 64 : index
      %swap3A_638 = tpu.vector_load %arg11[%swap3A_636, %swap3A_637] {strides = array<i32>} : memref<2x128xi32, #tpu.memory_space<vmem>>, vector<1x16xi32>,
      %swap3A_639 = vector.shape_cast %swap3A_638 : vector<1x16xi32> to vector<16xi32>
      %swap3A_640 = vector.shape_cast %select_n3A_634 : vector<16xi32> to vector<1x16xi32>
      tpu.vector_store %arg11[%swap3A_636, %swap3A_637], %swap3A_640 {strides = array<i32>} : memref<2x128xi32, #tpu.memory_space<vmem>>, vector<1x16xi32>,
      %get3A_641 = arith.constant 0 : i32
      %get3A_642 = arith.index_cast %get3A_641 : i32 to index
      %get3A_643 = arith.constant 80 : index
      %get3A_644 = tpu.vector_load %arg9[%get3A_642, %get3A_643] {strides = array<i32>} : memref<3x768xi32, #tpu.memory_space<vmem>>, vector<1x16xi32>,
      %get3A_645 = vector.shape_cast %get3A_644 : vector<1x16xi32> to vector<16xi32>
      %get3A_646 = arith.constant 0 : i32
      %get3A_647 = arith.index_cast %get3A_646 : i32 to index
      %get3A_648 = arith.constant 80 : index
      %get3A_649 = tpu.vector_load %arg10[%get3A_647, %get3A_648] {strides = array<i32>} : memref<3x768xi32, #tpu.memory_space<vmem>>, vector<1x16xi32>,
      %get3A_650 = vector.shape_cast %get3A_649 : vector<1x16xi32> to vector<16xi32>
      %eq3A_651 = arith.cmpi eq, %get3A_645, %get3A_650 : vector<16xi32>
      %jit3A_652 = arith.constant 10000 : i32
      %broadcast_in_dim3A_653 = vector.broadcast %jit3A_652 : i32 to vector<16xi32>
      %select_n3A_654 = arith.select %eq3A_651, %broadcast_in_dim3A_653, %get3A_645 : vector<16xi1>, vector<16xi32>
      %swap3A_655 = arith.constant 0 : i32
      %swap3A_656 = arith.index_cast %swap3A_655 : i32 to index
      %swap3A_657 = arith.constant 80 : index
      %swap3A_658 = tpu.vector_load %arg11[%swap3A_656, %swap3A_657] {strides = array<i32>} : memref<2x128xi32, #tpu.memory_space<vmem>>, vector<1x16xi32>,
      %swap3A_659 = vector.shape_cast %swap3A_658 : vector<1x16xi32> to vector<16xi32>
      %swap3A_660 = vector.shape_cast %select_n3A_654 : vector<16xi32> to vector<1x16xi32>
      tpu.vector_store %arg11[%swap3A_656, %swap3A_657], %swap3A_660 {strides = array<i32>} : memref<2x128xi32, #tpu.memory_space<vmem>>, vector<1x16xi32>,
      %get3A_661 = arith.constant 0 : i32
      %get3A_662 = arith.index_cast %get3A_661 : i32 to index
      %get3A_663 = arith.constant 96 : index
      %get3A_664 = tpu.vector_load %arg9[%get3A_662, %get3A_663] {strides = array<i32>} : memref<3x768xi32, #tpu.memory_space<vmem>>, vector<1x16xi32>,
      %get3A_665 = vector.shape_cast %get3A_664 : vector<1x16xi32> to vector<16xi32>
      %get3A_666 = arith.constant 0 : i32
      %get3A_667 = arith.index_cast %get3A_666 : i32 to index
      %get3A_668 = arith.constant 96 : index
      %get3A_669 = tpu.vector_load %arg10[%get3A_667, %get3A_668] {strides = array<i32>} : memref<3x768xi32, #tpu.memory_space<vmem>>, vector<1x16xi32>,
      %get3A_670 = vector.shape_cast %get3A_669 : vector<1x16xi32> to vector<16xi32>
      %eq3A_671 = arith.cmpi eq, %get3A_665, %get3A_670 : vector<16xi32>
      %jit3A_672 = arith.constant 10000 : i32
      %broadcast_in_dim3A_673 = vector.broadcast %jit3A_672 : i32 to vector<16xi32>
      %select_n3A_674 = arith.select %eq3A_671, %broadcast_in_dim3A_673, %get3A_665 : vector<16xi1>, vector<16xi32>
      %swap3A_675 = arith.constant 0 : i32
      %swap3A_676 = arith.index_cast %swap3A_675 : i32 to index
      %swap3A_677 = arith.constant 96 : index
      %swap3A_678 = tpu.vector_load %arg11[%swap3A_676, %swap3A_677] {strides = array<i32>} : memref<2x128xi32, #tpu.memory_space<vmem>>, vector<1x16xi32>,
      %swap3A_679 = vector.shape_cast %swap3A_678 : vector<1x16xi32> to vector<16xi32>
      %swap3A_680 = vector.shape_cast %select_n3A_674 : vector<16xi32> to vector<1x16xi32>
      tpu.vector_store %arg11[%swap3A_676, %swap3A_677], %swap3A_680 {strides = array<i32>} : memref<2x128xi32, #tpu.memory_space<vmem>>, vector<1x16xi32>,
      %get3A_681 = arith.constant 0 : i32
      %get3A_682 = arith.index_cast %get3A_681 : i32 to index
      %get3A_683 = arith.constant 112 : index
      %get3A_684 = tpu.vector_load %arg9[%get3A_682, %get3A_683] {strides = array<i32>} : memref<3x768xi32, #tpu.memory_space<vmem>>, vector<1x16xi32>,
      %get3A_685 = vector.shape_cast %get3A_684 : vector<1x16xi32> to vector<16xi32>
      %get3A_686 = arith.constant 0 : i32
      %get3A_687 = arith.index_cast %get3A_686 : i32 to index
      %get3A_688 = arith.constant 112 : index
      %get3A_689 = tpu.vector_load %arg10[%get3A_687, %get3A_688] {strides = array<i32>} : memref<3x768xi32, #tpu.memory_space<vmem>>, vector<1x16xi32>,
      %get3A_690 = vector.shape_cast %get3A_689 : vector<1x16xi32> to vector<16xi32>
      %eq3A_691 = arith.cmpi eq, %get3A_685, %get3A_690 : vector<16xi32>
      %jit3A_692 = arith.constant 10000 : i32
      %broadcast_in_dim3A_693 = vector.broadcast %jit3A_692 : i32 to vector<16xi32>
      %select_n3A_694 = arith.select %eq3A_691, %broadcast_in_dim3A_693, %get3A_685 : vector<16xi1>, vector<16xi32>
      %swap3A_695 = arith.constant 0 : i32
      %swap3A_696 = arith.index_cast %swap3A_695 : i32 to index
      %swap3A_697 = arith.constant 112 : index
      %swap3A_698 = tpu.vector_load %arg11[%swap3A_696, %swap3A_697] {strides = array<i32>} : memref<2x128xi32, #tpu.memory_space<vmem>>, vector<1x16xi32>,
      %swap3A_699 = vector.shape_cast %swap3A_698 : vector<1x16xi32> to vector<16xi32>
      %swap3A_700 = vector.shape_cast %select_n3A_694 : vector<16xi32> to vector<1x16xi32>
      tpu.vector_store %arg11[%swap3A_696, %swap3A_697], %swap3A_700 {strides = array<i32>} : memref<2x128xi32, #tpu.memory_space<vmem>>, vector<1x16xi32>,
      %dma_start3A_701 = arith.constant 0 : i32
      %dma_start3A_702 = arith.constant 0 : i32
      %dma_start3A_703 = arith.constant 0 : i32
      %dma_start3A_704 = arith.constant 0 : i32
      %dma_start3A_705 = arith.constant 0 : i32
      %dma_start3A_706 = tpu.memref_slice %arg12[%dma_start3A_702, %dma_start3A_704, %dma_start3A_705] : memref<2x128x128xf32, #tpu.memory_space<vmem>> -> memref<1x128x128xf32, #tpu.memory_space<vmem>>
      %dma_start3A_707 = tpu.memref_squeeze %dma_start3A_706 : memref<1x128x128xf32, #tpu.memory_space<vmem>> -> memref<128x128xf32, #tpu.memory_space<vmem>>
      %dma_start3A_708 = arith.constant 0 : i32
      %dma_start3A_709 = tpu.memref_slice %arg10[%dma_start3A_701, %dma_start3A_708] : memref<3x768xi32, #tpu.memory_space<vmem>> -> memref<1x128xi32, #tpu.memory_space<vmem>>
      %dma_start3A_710 = tpu.memref_squeeze %dma_start3A_709 : memref<1x128xi32, #tpu.memory_space<vmem>> -> memref<128xi32, #tpu.memory_space<vmem>>
      %dma_start3A_711 = arith.constant 0 : i32
      %dma_start3A_712 = arith.constant 0 : i32
      %dma_start3A_713 = tpu.memref_slice %arg2[%dma_start3A_711, %dma_start3A_712] : memref<10000x128xf32, #tpu.memory_space<hbm>> -> memref<10000x128xf32, #tpu.memory_space<hbm>>
      %dma_start3A_714 = tpu.memref_slice %arg15[%dma_start3A_703] : memref<2x!tpu.dma_semaphore, #tpu.memory_space<semaphore_mem>> -> memref<1x!tpu.dma_semaphore, #tpu.memory_space<semaphore_mem>>
      %dma_start3A_715 = tpu.memref_squeeze %dma_start3A_714 : memref<1x!tpu.dma_semaphore, #tpu.memory_space<semaphore_mem>> -> memref<!tpu.dma_semaphore, #tpu.memory_space<semaphore_mem>>
      tpu.enqueue_indirect_dma source(%dma_start3A_713 : memref<10000x128xf32, #tpu.memory_space<hbm>>) target(%dma_start3A_707 : memref<128x128xf32, #tpu.memory_space<vmem>>) offsets(%dma_start3A_710 : memref<128xi32, #tpu.memory_space<vmem>>) semaphore(%dma_start3A_715 : memref<!tpu.dma_semaphore, #tpu.memory_space<semaphore_mem>>)
      %dma_wait3A_716 = arith.constant 0 : i32
      %dma_wait3A_717 = arith.constant 0 : i32
      %dma_wait3A_718 = arith.constant 0 : i32
      %dma_wait3A_719 = arith.constant 0 : i32
      %dma_wait3A_720 = arith.constant 0 : i32
      %dma_wait3A_721 = tpu.memref_slice %arg12[%dma_wait3A_717, %dma_wait3A_719, %dma_wait3A_720] : memref<2x128x128xf32, #tpu.memory_space<vmem>> -> memref<1x128x128xf32, #tpu.memory_space<vmem>>
      %dma_wait3A_722 = tpu.memref_squeeze %dma_wait3A_721 : memref<1x128x128xf32, #tpu.memory_space<vmem>> -> memref<128x128xf32, #tpu.memory_space<vmem>>
      %dma_wait3A_723 = arith.constant 0 : i32
      %dma_wait3A_724 = tpu.memref_slice %arg10[%dma_wait3A_716, %dma_wait3A_723] : memref<3x768xi32, #tpu.memory_space<vmem>> -> memref<1x128xi32, #tpu.memory_space<vmem>>
      %dma_wait3A_725 = tpu.memref_squeeze %dma_wait3A_724 : memref<1x128xi32, #tpu.memory_space<vmem>> -> memref<128xi32, #tpu.memory_space<vmem>>
      %dma_wait3A_726 = arith.constant 0 : i32
      %dma_wait3A_727 = arith.constant 0 : i32
      %dma_wait3A_728 = tpu.memref_slice %arg2[%dma_wait3A_726, %dma_wait3A_727] : memref<10000x128xf32, #tpu.memory_space<hbm>> -> memref<10000x128xf32, #tpu.memory_space<hbm>>
      %dma_wait3A_729 = tpu.memref_slice %arg15[%dma_wait3A_718] : memref<2x!tpu.dma_semaphore, #tpu.memory_space<semaphore_mem>> -> memref<1x!tpu.dma_semaphore, #tpu.memory_space<semaphore_mem>>
      %dma_wait3A_730 = tpu.memref_squeeze %dma_wait3A_729 : memref<1x!tpu.dma_semaphore, #tpu.memory_space<semaphore_mem>> -> memref<!tpu.dma_semaphore, #tpu.memory_space<semaphore_mem>>
      tpu.wait_indirect_dma semaphore(%dma_wait3A_730 : memref<!tpu.dma_semaphore, #tpu.memory_space<semaphore_mem>>) src(%dma_wait3A_728 : memref<10000x128xf32, #tpu.memory_space<hbm>>) dst(%dma_wait3A_722 : memref<128x128xf32, #tpu.memory_space<vmem>>)
      %run_scoped3A_731 = arith.constant 0 : i32
      %run_scoped3A_732 = arith.constant 0 : i32
      "tpu.region"() ({
        %run_scoped3A_734 = tpu.sem_alloc : memref<!tpu.dma_semaphore, #tpu.memory_space<semaphore_mem>>
        %dma_start3A_735 = arith.constant 0 : i32
        %dma_start3A_736 = arith.constant 0 : i32
        %dma_start3A_737 = tpu.memref_slice %arg12[%run_scoped3A_731, %dma_start3A_735, %dma_start3A_736] : memref<2x128x128xf32, #tpu.memory_space<vmem>> -> memref<1x128x128xf32, #tpu.memory_space<vmem>>
        %dma_start3A_738 = tpu.memref_squeeze %dma_start3A_737 : memref<1x128x128xf32, #tpu.memory_space<vmem>> -> memref<128x128xf32, #tpu.memory_space<vmem>>
        %dma_start3A_739 = arith.constant 0 : i32
        %dma_start3A_740 = tpu.memref_slice %arg11[%run_scoped3A_732, %dma_start3A_739] : memref<2x128xi32, #tpu.memory_space<vmem>> -> memref<1x128xi32, #tpu.memory_space<vmem>>
        %dma_start3A_741 = tpu.memref_squeeze %dma_start3A_740 : memref<1x128xi32, #tpu.memory_space<vmem>> -> memref<128xi32, #tpu.memory_space<vmem>>
        %dma_start3A_742 = arith.constant 0 : i32
        %dma_start3A_743 = arith.constant 0 : i32
        %dma_start3A_744 = tpu.memref_slice %arg7[%dma_start3A_742, %dma_start3A_743] : memref<10112x128xf32, #tpu.memory_space<vmem_shared>> -> memref<10112x128xf32, #tpu.memory_space<vmem_shared>>
        tpu.enqueue_indirect_dma source(%dma_start3A_738 : memref<128x128xf32, #tpu.memory_space<vmem>>) target(%dma_start3A_744 : memref<10112x128xf32, #tpu.memory_space<vmem_shared>>) offsets(%dma_start3A_741 : memref<128xi32, #tpu.memory_space<vmem>>) semaphore(%run_scoped3A_734 : memref<!tpu.dma_semaphore, #tpu.memory_space<semaphore_mem>>) {add = true}
        %dma_wait3A_745 = arith.constant 0 : i32
        %dma_wait3A_746 = arith.constant 0 : i32
        %dma_wait3A_747 = tpu.memref_slice %arg12[%run_scoped3A_731, %dma_wait3A_745, %dma_wait3A_746] : memref<2x128x128xf32, #tpu.memory_space<vmem>> -> memref<1x128x128xf32, #tpu.memory_space<vmem>>
        %dma_wait3A_748 = tpu.memref_squeeze %dma_wait3A_747 : memref<1x128x128xf32, #tpu.memory_space<vmem>> -> memref<128x128xf32, #tpu.memory_space<vmem>>
        %dma_wait3A_749 = arith.constant 0 : i32
        %dma_wait3A_750 = tpu.memref_slice %arg11[%run_scoped3A_732, %dma_wait3A_749] : memref<2x128xi32, #tpu.memory_space<vmem>> -> memref<1x128xi32, #tpu.memory_space<vmem>>
        %dma_wait3A_751 = tpu.memref_squeeze %dma_wait3A_750 : memref<1x128xi32, #tpu.memory_space<vmem>> -> memref<128xi32, #tpu.memory_space<vmem>>
        %dma_wait3A_752 = arith.constant 0 : i32
        %dma_wait3A_753 = arith.constant 0 : i32
        %dma_wait3A_754 = tpu.memref_slice %arg7[%dma_wait3A_752, %dma_wait3A_753] : memref<10112x128xf32, #tpu.memory_space<vmem_shared>> -> memref<10112x128xf32, #tpu.memory_space<vmem_shared>>
        tpu.wait_indirect_dma semaphore(%run_scoped3A_734 : memref<!tpu.dma_semaphore, #tpu.memory_space<semaphore_mem>>) src(%dma_wait3A_748 : memref<128x128xf32, #tpu.memory_space<vmem>>) dst(%dma_wait3A_754 : memref<10112x128xf32, #tpu.memory_space<vmem_shared>>)
        tpu.yield
      }) : () -> ()
      %run_scoped3A_733 = arith.constant 0 : i32
      "tpu.region"() ({
        %run_scoped3A_734 = tpu.sem_alloc : memref<!tpu.dma_semaphore, #tpu.memory_space<semaphore_mem>>
        %dma_start3A_735 = arith.constant 0 : i32
        %dma_start3A_736 = tpu.memref_slice %arg11[%run_scoped3A_733, %dma_start3A_735] : memref<2x128xi32, #tpu.memory_space<vmem>> -> memref<1x128xi32, #tpu.memory_space<vmem>>
        %dma_start3A_737 = tpu.memref_squeeze %dma_start3A_736 : memref<1x128xi32, #tpu.memory_space<vmem>> -> memref<128xi32, #tpu.memory_space<vmem>>
        %dma_start3A_738 = arith.constant 0 : i32
        %dma_start3A_739 = arith.constant 0 : i32
        %dma_start3A_740 = tpu.memref_slice %arg8[%dma_start3A_738, %dma_start3A_739] : memref<10112x8xf32, #tpu.memory_space<vmem_shared>> -> memref<10112x8xf32, #tpu.memory_space<vmem_shared>>
        tpu.enqueue_indirect_dma source(%arg13 : memref<128x8xf32, #tpu.memory_space<vmem>>) target(%dma_start3A_740 : memref<10112x8xf32, #tpu.memory_space<vmem_shared>>) offsets(%dma_start3A_737 : memref<128xi32, #tpu.memory_space<vmem>>) semaphore(%run_scoped3A_734 : memref<!tpu.dma_semaphore, #tpu.memory_space<semaphore_mem>>) {add = true}
        %dma_wait3A_741 = arith.constant 0 : i32
        %dma_wait3A_742 = tpu.memref_slice %arg11[%run_scoped3A_733, %dma_wait3A_741] : memref<2x128xi32, #tpu.memory_space<vmem>> -> memref<1x128xi32, #tpu.memory_space<vmem>>
        %dma_wait3A_743 = tpu.memref_squeeze %dma_wait3A_742 : memref<1x128xi32, #tpu.memory_space<vmem>> -> memref<128xi32, #tpu.memory_space<vmem>>
        %dma_wait3A_744 = arith.constant 0 : i32
        %dma_wait3A_745 = arith.constant 0 : i32
        %dma_wait3A_746 = tpu.memref_slice %arg8[%dma_wait3A_744, %dma_wait3A_745] : memref<10112x8xf32, #tpu.memory_space<vmem_shared>> -> memref<10112x8xf32, #tpu.memory_space<vmem_shared>>
        tpu.wait_indirect_dma semaphore(%run_scoped3A_734 : memref<!tpu.dma_semaphore, #tpu.memory_space<semaphore_mem>>) src(%arg13 : memref<128x8xf32, #tpu.memory_space<vmem>>) dst(%dma_wait3A_746 : memref<10112x8xf32, #tpu.memory_space<vmem_shared>>)
        tpu.yield
      }) : () -> ()
    } else {
    }
    %barrier3A_506 = arith.constant 0 : index
    tpu.barrier barrier_id(%barrier3A_506)
    %dma_start3A_507 = arith.constant 0 : i32
    %dma_start3A_508 = tpu.memref_slice %arg15[%dma_start3A_507] : memref<2x!tpu.dma_semaphore, #tpu.memory_space<semaphore_mem>> -> memref<1x!tpu.dma_semaphore, #tpu.memory_space<semaphore_mem>>
    %dma_start3A_509 = tpu.memref_squeeze %dma_start3A_508 : memref<1x!tpu.dma_semaphore, #tpu.memory_space<semaphore_mem>> -> memref<!tpu.dma_semaphore, #tpu.memory_space<semaphore_mem>>
    %dma_start3A_510 = arith.constant 0 : i32
    %dma_start3A_511 = tpu.memref_slice %arg5[%arg0, %mul3A_73, %dma_start3A_510] : memref<2x10112x128xf32, #tpu.memory_space<hbm>> -> memref<1x632x128xf32, #tpu.memory_space<hbm>>
    %dma_start3A_512 = tpu.memref_squeeze %dma_start3A_511 : memref<1x632x128xf32, #tpu.memory_space<hbm>> -> memref<632x128xf32, #tpu.memory_space<hbm>>
    %dma_start3A_513 = arith.constant 0 : i32
    %dma_start3A_514 = tpu.memref_slice %arg7[%mul3A_73, %dma_start3A_513] : memref<10112x128xf32, #tpu.memory_space<vmem_shared>> -> memref<632x128xf32, #tpu.memory_space<vmem_shared>>
    tpu.enqueue_dma source(%dma_start3A_514 : memref<632x128xf32, #tpu.memory_space<vmem_shared>>) target(%dma_start3A_512 : memref<632x128xf32, #tpu.memory_space<hbm>>) target_semaphore(%dma_start3A_509 : memref<!tpu.dma_semaphore, #tpu.memory_space<semaphore_mem>>)
    %dma_start3A_515 = arith.constant 1 : i32
    %dma_start3A_516 = tpu.memref_slice %arg15[%dma_start3A_515] : memref<2x!tpu.dma_semaphore, #tpu.memory_space<semaphore_mem>> -> memref<1x!tpu.dma_semaphore, #tpu.memory_space<semaphore_mem>>
    %dma_start3A_517 = tpu.memref_squeeze %dma_start3A_516 : memref<1x!tpu.dma_semaphore, #tpu.memory_space<semaphore_mem>> -> memref<!tpu.dma_semaphore, #tpu.memory_space<semaphore_mem>>
    %dma_start3A_518 = arith.constant 0 : i32
    %dma_start3A_519 = tpu.memref_slice %arg6[%arg0, %mul3A_73, %dma_start3A_518] : memref<2x10112x8xf32, #tpu.memory_space<hbm>> -> memref<1x632x8xf32, #tpu.memory_space<hbm>>
    %dma_start3A_520 = tpu.memref_squeeze %dma_start3A_519 : memref<1x632x8xf32, #tpu.memory_space<hbm>> -> memref<632x8xf32, #tpu.memory_space<hbm>>
    %dma_start3A_521 = arith.constant 0 : i32
    %dma_start3A_522 = tpu.memref_slice %arg8[%mul3A_73, %dma_start3A_521] : memref<10112x8xf32, #tpu.memory_space<vmem_shared>> -> memref<632x8xf32, #tpu.memory_space<vmem_shared>>
    tpu.enqueue_dma source(%dma_start3A_522 : memref<632x8xf32, #tpu.memory_space<vmem_shared>>) target(%dma_start3A_520 : memref<632x8xf32, #tpu.memory_space<hbm>>) target_semaphore(%dma_start3A_517 : memref<!tpu.dma_semaphore, #tpu.memory_space<semaphore_mem>>)
    %dma_wait3A_523 = arith.constant 0 : i32
    %dma_wait3A_524 = tpu.memref_slice %arg15[%dma_wait3A_523] : memref<2x!tpu.dma_semaphore, #tpu.memory_space<semaphore_mem>> -> memref<1x!tpu.dma_semaphore, #tpu.memory_space<semaphore_mem>>
    %dma_wait3A_525 = tpu.memref_squeeze %dma_wait3A_524 : memref<1x!tpu.dma_semaphore, #tpu.memory_space<semaphore_mem>> -> memref<!tpu.dma_semaphore, #tpu.memory_space<semaphore_mem>>
    %dma_wait3A_526 = arith.constant 0 : i32
    %dma_wait3A_527 = tpu.memref_slice %arg5[%arg0, %mul3A_73, %dma_wait3A_526] : memref<2x10112x128xf32, #tpu.memory_space<hbm>> -> memref<1x632x128xf32, #tpu.memory_space<hbm>>
    %dma_wait3A_528 = tpu.memref_squeeze %dma_wait3A_527 : memref<1x632x128xf32, #tpu.memory_space<hbm>> -> memref<632x128xf32, #tpu.memory_space<hbm>>
    %dma_wait3A_529 = arith.constant 0 : i32
    %dma_wait3A_530 = tpu.memref_slice %arg7[%mul3A_73, %dma_wait3A_529] : memref<10112x128xf32, #tpu.memory_space<vmem_shared>> -> memref<632x128xf32, #tpu.memory_space<vmem_shared>>
    tpu.wait_dma2 semaphore(%dma_wait3A_525 : memref<!tpu.dma_semaphore, #tpu.memory_space<semaphore_mem>>) src(%dma_wait3A_530 : memref<632x128xf32, #tpu.memory_space<vmem_shared>>) dst(%dma_wait3A_528 : memref<632x128xf32, #tpu.memory_space<hbm>>)
    %dma_wait3A_531 = arith.constant 1 : i32
    %dma_wait3A_532 = tpu.memref_slice %arg15[%dma_wait3A_531] : memref<2x!tpu.dma_semaphore, #tpu.memory_space<semaphore_mem>> -> memref<1x!tpu.dma_semaphore, #tpu.memory_space<semaphore_mem>>
    %dma_wait3A_533 = tpu.memref_squeeze %dma_wait3A_532 : memref<1x!tpu.dma_semaphore, #tpu.memory_space<semaphore_mem>> -> memref<!tpu.dma_semaphore, #tpu.memory_space<semaphore_mem>>
    %dma_wait3A_534 = arith.constant 0 : i32
    %dma_wait3A_535 = tpu.memref_slice %arg6[%arg0, %mul3A_73, %dma_wait3A_534] : memref<2x10112x8xf32, #tpu.memory_space<hbm>> -> memref<1x632x8xf32, #tpu.memory_space<hbm>>
    %dma_wait3A_536 = tpu.memref_squeeze %dma_wait3A_535 : memref<1x632x8xf32, #tpu.memory_space<hbm>> -> memref<632x8xf32, #tpu.memory_space<hbm>>
    %dma_wait3A_537 = arith.constant 0 : i32
    %dma_wait3A_538 = tpu.memref_slice %arg8[%mul3A_73, %dma_wait3A_537] : memref<10112x8xf32, #tpu.memory_space<vmem_shared>> -> memref<632x8xf32, #tpu.memory_space<vmem_shared>>
    tpu.wait_dma2 semaphore(%dma_wait3A_533 : memref<!tpu.dma_semaphore, #tpu.memory_space<semaphore_mem>>) src(%dma_wait3A_538 : memref<632x8xf32, #tpu.memory_space<vmem_shared>>) dst(%dma_wait3A_536 : memref<632x8xf32, #tpu.memory_space<hbm>>)
    return
  }
}

module attributes {stable_mosaic.version = 14 : i64} {
  func.func @_mm_body(%arg0: i32, %arg1: memref<5000x128xf32, #tpu.memory_space<vmem>>, %arg2: memref<128x128xf32, #tpu.memory_space<vmem>>, %arg3: memref<5000x128xf32, #tpu.memory_space<vmem>>) attributes {dimension_semantics = [#tpu.dimension_semantics<arbitrary>], iteration_bounds = array<i64: 2>, scalar_prefetch = 0 : i64, scratch_operands = 0 : i64, tpu.core_type = #tpu.core_type<tc>, window_params = [{transform_indices = @transform_0, window_bounds = array<i64: 5000, 128>}, {pipeline_mode = #tpu.pipeline_mode<synchronous>, transform_indices = @transform_1, window_bounds = array<i64: 128, 128>}, {transform_indices = @transform_2, window_bounds = array<i64: 5000, 128>}]} {
    %get3A = arith.constant 0 : index
    %get3A_0 = arith.constant 0 : index
    %get3A_1 = vector.load %arg1[%get3A, %get3A_0] : memref<5000x128xf32, #tpu.memory_space<vmem>>, vector<5000x128xf32>
    %get3A_2 = arith.constant 0 : index
    %get3A_3 = arith.constant 0 : index
    %get3A_4 = vector.load %arg2[%get3A_2, %get3A_3] : memref<128x128xf32, #tpu.memory_space<vmem>>, vector<128x128xf32>
    %dot_general3A = arith.constant dense<0.000000e+00> : vector<5000x128xf32>
    %dot_general3A_5 = tpu.matmul %get3A_1, %get3A_4, %dot_general3A {dimension_numbers = #tpu.dot_dimension_numbers<[1], [0], [0], [1], [0, 0, 1, 1], [], []>, transpose_lhs_hint = false} : vector<5000x128xf32>, vector<128x128xf32>, vector<5000x128xf32> -> vector<5000x128xf32>
    %max3A = arith.constant 0.000000e+00 : f32
    %max3A_6 = vector.broadcast %max3A : f32 to vector<5000x128xf32>
    %max3A_7 = arith.maximumf %dot_general3A_5, %max3A_6 : vector<5000x128xf32>
    %swap3A = arith.constant 0 : index
    %swap3A_8 = arith.constant 0 : index
    %swap3A_9 = vector.load %arg3[%swap3A, %swap3A_8] : memref<5000x128xf32, #tpu.memory_space<vmem>>, vector<5000x128xf32>
    tpu.vector_store %arg3[%swap3A, %swap3A_8], %max3A_7 {strides = array<i32>} : memref<5000x128xf32, #tpu.memory_space<vmem>>, vector<5000x128xf32>,
    return
  }
  func.func @transform_0(%arg0: i32) -> (i32, i32) {
    %c0_i32 = arith.constant 0 : i32
    %c0_i32_0 = arith.constant 0 : i32
    return %arg0, %c0_i32 : i32, i32
  }
  func.func @transform_1(%arg0: i32) -> (i32, i32) {
    %c0_i32 = arith.constant 0 : i32
    %c0_i32_0 = arith.constant 0 : i32
    %c0_i32_1 = arith.constant 0 : i32
    return %c0_i32, %c0_i32_0 : i32, i32
  }
  func.func @transform_2(%arg0: i32) -> (i32, i32) {
    %c0_i32 = arith.constant 0 : i32
    %c0_i32_0 = arith.constant 0 : i32
    return %arg0, %c0_i32 : i32, i32
  }
}

module attributes {stable_mosaic.version = 14 : i64} {
  func.func @_div_body(%arg0: i32, %arg1: memref<2x5000x128xf32, #tpu.memory_space<vmem>>, %arg2: memref<2x5000x8xf32, #tpu.memory_space<vmem>>, %arg3: memref<5000x128xf32, #tpu.memory_space<vmem>>, %arg4: memref<5000x128xf32, #tpu.memory_space<vmem>>) attributes {dimension_semantics = [#tpu.dimension_semantics<arbitrary>], iteration_bounds = array<i64: 2>, scalar_prefetch = 0 : i64, scratch_operands = 0 : i64, tpu.core_type = #tpu.core_type<tc>, window_params = [{transform_indices = @transform_0, window_bounds = array<i64: 2, 5000, 128>}, {transform_indices = @transform_1, window_bounds = array<i64: 2, 5000, 8>}, {transform_indices = @transform_2, window_bounds = array<i64: 5000, 128>}, {transform_indices = @transform_3, window_bounds = array<i64: 5000, 128>}]} {
    %get3A = arith.constant 0 : index
    %get3A_0 = arith.constant 0 : index
    %get3A_1 = arith.constant 0 : index
    %get3A_2 = vector.load %arg1[%get3A, %get3A_0, %get3A_1] : memref<2x5000x128xf32, #tpu.memory_space<vmem>>, vector<1x5000x128xf32>
    %get3A_3 = vector.shape_cast %get3A_2 : vector<1x5000x128xf32> to vector<5000x128xf32>
    %get3A_4 = arith.constant 1 : index
    %get3A_5 = arith.constant 0 : index
    %get3A_6 = arith.constant 0 : index
    %get3A_7 = vector.load %arg1[%get3A_4, %get3A_5, %get3A_6] : memref<2x5000x128xf32, #tpu.memory_space<vmem>>, vector<1x5000x128xf32>
    %get3A_8 = vector.shape_cast %get3A_7 : vector<1x5000x128xf32> to vector<5000x128xf32>
    %add3A = arith.addf %get3A_3, %get3A_8 : vector<5000x128xf32>
    %get3A_9 = arith.constant 0 : index
    %get3A_10 = arith.constant 0 : index
    %get3A_11 = vector.load %arg3[%get3A_9, %get3A_10] : memref<5000x128xf32, #tpu.memory_space<vmem>>, vector<5000x128xf32>
    %add3A_12 = arith.addf %add3A, %get3A_11 : vector<5000x128xf32>
    %get3A_13 = arith.constant 0 : index
    %get3A_14 = arith.constant 0 : index
    %get3A_15 = arith.constant 0 : index
    %get3A_16 = vector.load %arg2[%get3A_13, %get3A_14, %get3A_15] : memref<2x5000x8xf32, #tpu.memory_space<vmem>>, vector<1x5000x1xf32>
    %get3A_17 = vector.shape_cast %get3A_16 : vector<1x5000x1xf32> to vector<5000x1xf32>
    %get3A_18 = arith.constant 1 : index
    %get3A_19 = arith.constant 0 : index
    %get3A_20 = arith.constant 0 : index
    %get3A_21 = vector.load %arg2[%get3A_18, %get3A_19, %get3A_20] : memref<2x5000x8xf32, #tpu.memory_space<vmem>>, vector<1x5000x1xf32>
    %get3A_22 = vector.shape_cast %get3A_21 : vector<1x5000x1xf32> to vector<5000x1xf32>
    %add3A_23 = arith.addf %get3A_17, %get3A_22 : vector<5000x1xf32>
    %add3A_24 = arith.constant 1.000000e+00 : f32
    %add3A_25 = vector.broadcast %add3A_24 : f32 to vector<5000x1xf32>
    %add3A_26 = arith.addf %add3A_23, %add3A_25 : vector<5000x1xf32>
    %div3A = vector.broadcast %add3A_26 : vector<5000x1xf32> to vector<5000x128xf32>
    %div3A_27 = arith.divf %add3A_12, %div3A : vector<5000x128xf32>
    %swap3A = arith.constant 0 : index
    %swap3A_28 = arith.constant 0 : index
    %swap3A_29 = vector.load %arg4[%swap3A, %swap3A_28] : memref<5000x128xf32, #tpu.memory_space<vmem>>, vector<5000x128xf32>
    tpu.vector_store %arg4[%swap3A, %swap3A_28], %div3A_27 {strides = array<i32>} : memref<5000x128xf32, #tpu.memory_space<vmem>>, vector<5000x128xf32>,
    return
  }
  func.func @transform_0(%arg0: i32) -> (i32, i32, i32) {
    %c0_i32 = arith.constant 0 : i32
    %c0_i32_0 = arith.constant 0 : i32
    %c0_i32_1 = arith.constant 0 : i32
    return %c0_i32, %arg0, %c0_i32_0 : i32, i32, i32
  }
  func.func @transform_1(%arg0: i32) -> (i32, i32, i32) {
    %c0_i32 = arith.constant 0 : i32
    %c0_i32_0 = arith.constant 0 : i32
    %c0_i32_1 = arith.constant 0 : i32
    return %c0_i32, %arg0, %c0_i32_0 : i32, i32, i32
  }
  func.func @transform_2(%arg0: i32) -> (i32, i32) {
    %c0_i32 = arith.constant 0 : i32
    %c0_i32_0 = arith.constant 0 : i32
    return %arg0, %c0_i32 : i32, i32
  }
  func.func @transform_3(%arg0: i32) -> (i32, i32) {
    %c0_i32 = arith.constant 0 : i32
    %c0_i32_0 = arith.constant 0 : i32
    return %arg0, %c0_i32 : i32, i32
  }
}

</mosaic_0001>

<sc_bundles>
// kernel: kernel.5.cloned.1.call-start
scs
__scs_entry_jumppad:
0x0: {  	(pc) =	sbr.rel $0x88, $3  }
0x1: {  	(tag) =	ssettag $0x0;
	lr =	simm.s32 $0x1  }
0x2: {  	[smem:$0x3F9E] =	sst lr;
	_ =	strace $0xD0000000  }
0x3: {  	_ = 	snop  }
0x4: {  	_ = 	snop  }
0x5: {  	_ = 	snop  }
0x6: {  	_ = 	snop  }
0x7: {  	_ = 	snop  }
__scs_overlays_trampoline_lowered:
0x8: {  	[smem:$0x3FAD] =	sst s0  }
0x9: {  	[smem:$0x3FAE] =	sst s1  }
0xa: {  	[smem:$0x3FAF] =	sst s2  }
0xb: {  	[smem:$0x3FB0] =	sst s3  }
0xc: {  	[smem:$0x3FB1] =	sst s4  }
0xd: {  	[smem:$0x3FB2] =	sst s5  }
0xe: {  	[smem:$0x3FB3] =	sst s6  }
0xf: {  	[smem:$0x3FB4] =	sst s7  }
0x10: {  	[smem:$0x3FB5] =	sst s8  }
0x11: {  	[smem:$0x3FB6] =	sst s9;
	s0 =	simm.s32 @!p0 $0x0  }
0x12: {  	s1 =	sld [smem:$0x3F9C];
	s0 =	simm.s32 @p0 $0x1  }
0x13: {  	[smem:$0x3FB7] =	sst s0;
	s0 =	simm.s32 @!p1 $0x0  }
0x14: {  	s2 =	sld [smem:$0x3F9B];
	s0 =	simm.s32 @p1 $0x1  }
0x15: {  	[smem:$0x3FB8] =	sst s0;
	s0 =	simm.s32 @!p2 $0x0  }
0x16: {  	s3 =	sld [smem:$0x3FDB];
	s0 =	simm.s32 @p2 $0x1  }
0x17: {  	s4 =	simm.s32 $0x1BF5;
	[smem:$0x3FBA] =	sst s0  }
0x18: {  	s0 =	sld [smem:$0x3F9D];
	_ =	swait.ge [sflag:s4], $0x0  }
0x19: {  	s7 =	sld [smem:$0x3F9E]  }
0x1a: {  	s8 =	sadd.s32 $0xFFFFE003, lr  }
0x1b: {  	s9 =	sadd.s32 $0xFFFFFEF7, lr;
	s5 =	simm.s32 $0xFFFFFFFF;
	p2 =	slt.u32 s8, $0xFFFFF086  }
0x1c: {  	p1 =	slt.u32 s9, $0xF7A;
	s5 =	simm.s32 @!p2 $0x0  }
0x1d: {  	s5 =	simm.s32 @p1 $0x1;
	p0 =	seq.s32 s7, s2  }
0x1e: {  	s7 =	smul.u32 @!p0 $0xF7A, s2;
	p2 =	seq.s32 @!p0 s5, $0x0  }
0x1f: {  	s9 =	smul.u32 $0xF7A, s1;
	s8 =	simm.s32 @!p0 $0x1BF5;
	p2 =	por !p2, p0  }
0x20: {  	[sflag:s8] =	ssyncset.s32 @!p0 $0xFFFFF086;
	s6 =	sadd.s32 @!p0 s3, s7;
	s7 =	simm.s32 @!p0 $0x108  }
0x21: {  	s3 =	sadd.s32 s3, s9;
	s6 =	sadd.s32 @!p0 $0x88, s6;
	s7 =	simm.s32 @p2 $0x1082  }
0x22: {  	[simem:s7], [sflag:s8] =	dma.local @!p0 [hbm:s6], $0xF7A  }
0x23: {  	s9 =	sor.u32 $0xD0000000, s2;
	s6 =	simm.s32 $0x108;
	_ =	swait.ge @!p0 [sflag:s8], $0x0  }
0x24: {  	s3 =	sadd.s32 $0x88, s3;
	s6 =	simm.s32 @!p1 $0x1082;
	[sflag:s4] =	ssyncset.s32 $0xFFFFF086  }
0x25: {  	[simem:s6], [sflag:s4] =	dma.local [hbm:s3], $0xF7A  }
0x26: {  	[smem:$0x3F9E] =	sst s1;
	(tag) =	ssettag s2;
	_ =	strace s9  }
0x27: {  	s1 =	sld [smem:$0x3FAE]  }
0x28: {  	s2 =	sld [smem:$0x3FAF]  }
0x29: {  	s4 =	sld [smem:$0x3FB1]  }
0x2a: {  	p0 =	seq.s32 s5, $0x0;
	s5 =	sld [smem:$0x3FB2]  }
0x2b: {  	s6 =	sld [smem:$0x3FB3]  }
0x2c: {  	s7 =	sld [smem:$0x3FB4]  }
0x2d: {  	s3 =	simm.s32 $0x108;
	s8 =	sld [smem:$0x3FB5]  }
0x2e: {  	s3 =	simm.s32 @!p0 $0x1082;
	s9 =	sld [smem:$0x3FB6]  }
0x2f: {  	lr =	sadd.s32 s0, s3;
	s0 =	sld [smem:$0x3FAD]  }
0x30: {  	s3 =	sld [smem:$0x3FB0]  }
0x31: {  	[smem:$0x3FB9] =	sst s10  }
0x32: {  	s10 =	sld [smem:$0x3FB7];
	_ =	sdelay $0x3  }
0x33: {  	p0 =	seq.s32 s10, $0x1;
	s10 =	sld [smem:$0x3FB9];
	_ =	sdelay $0x3  }
0x34: {  	[smem:$0x3FB9] =	sst s10  }
0x35: {  	s10 =	sld [smem:$0x3FB8];
	_ =	sdelay $0x3  }
0x36: {  	p1 =	seq.s32 s10, $0x1;
	s10 =	sld [smem:$0x3FB9];
	_ =	sdelay $0x3  }
0x37: {  	[smem:$0x3FB9] =	sst s10  }
0x38: {  	s10 =	sld [smem:$0x3FBA]  }
0x39: {  	_ = 	snop;
	(pc) =	sbr.ind lr, $3  }
0x3a: {  	_ = 	snop  }
0x3b: {  	_ = 	snop  }
0x3c: {  	p2 =	seq.s32 s10, $0x1;
	s10 =	sld [smem:$0x3FB9]  }
0x3d: {  	_ =	shalt  }
0x3e: {  	_ =	shalt  }
0x3f: {  	_ =	shalt  }
0x40: {  	_ =	shalt  }
0x41: {  	_ =	shalt  }
0x42: {  	_ =	shalt  }
0x43: {  	_ =	shalt  }
0x44: {  	_ =	shalt  }
0x45: {  	_ =	shalt  }
0x46: {  	_ =	shalt  }
0x47: {  	_ =	shalt  }
0x48: {  	_ =	shalt  }
0x49: {  	_ =	shalt  }
0x4a: {  	_ =	shalt  }
0x4b: {  	_ =	shalt  }
0x4c: {  	_ =	shalt  }
0x4d: {  	_ =	shalt  }
0x4e: {  	_ =	shalt  }
0x4f: {  	_ =	shalt  }
0x50: {  	_ =	shalt  }
0x51: {  	_ =	shalt  }
0x52: {  	_ =	shalt  }
0x53: {  	_ =	shalt  }
0x54: {  	_ =	shalt  }
0x55: {  	_ =	shalt  }
0x56: {  	_ =	shalt  }
0x57: {  	_ =	shalt  }
0x58: {  	_ =	shalt  }
0x59: {  	_ =	shalt  }
0x5a: {  	_ =	shalt  }
0x5b: {  	_ =	shalt  }
0x5c: {  	_ =	shalt  }
0x5d: {  	_ =	shalt  }
0x5e: {  	_ =	shalt  }
0x5f: {  	_ =	shalt  }
0x60: {  	_ =	shalt  }
0x61: {  	_ =	shalt  }
0x62: {  	_ =	shalt  }
0x63: {  	_ =	shalt  }
0x64: {  	_ =	shalt  }
0x65: {  	_ =	shalt  }
0x66: {  	_ =	shalt  }
0x67: {  	_ =	shalt  }
0x68: {  	_ =	shalt  }
0x69: {  	_ =	shalt  }
0x6a: {  	_ =	shalt  }
0x6b: {  	_ =	shalt  }
0x6c: {  	_ =	shalt  }
0x6d: {  	_ =	shalt  }
0x6e: {  	_ =	shalt  }
0x6f: {  	_ =	shalt  }
0x70: {  	_ =	shalt  }
0x71: {  	_ =	shalt  }
0x72: {  	_ =	shalt  }
0x73: {  	_ =	shalt  }
0x74: {  	_ =	shalt  }
0x75: {  	_ =	shalt  }
0x76: {  	_ =	shalt  }
0x77: {  	_ =	shalt  }
0x78: {  	_ =	shalt  }
0x79: {  	_ =	shalt  }
0x7a: {  	_ =	shalt  }
0x7b: {  	_ =	shalt  }
0x7c: {  	_ =	shalt  }
0x7d: {  	_ =	shalt  }
0x7e: {  	_ =	shalt  }
0x7f: {  	_ =	shalt  }
0x80: {  	_ =	shalt  }
0x81: {  	_ =	shalt  }
0x82: {  	_ =	shalt  }
0x83: {  	_ =	shalt  }
0x84: {  	_ =	shalt  }
0x85: {  	_ =	shalt  }
0x86: {  	_ =	shalt  }
0x87: {  	_ =	shalt  }
.Lfunc_end0:
.L_simem_size_0:
called_computation_lowered:
.L_overlay_start_0:
0x88: {  	s2 =	sld [smem:$0x3FD9]  }
0x89: {  	s3 =	sld [smem:$0x3FFE];
	_ =	sdelay $0x1  }
0x8a: {  	s1 =	srdreg.scid  }
0x8b: {  	s0 =	sand.u32 $0x1, s1  }
0x8c: {  	s17 =	sshll.u32 s0, $0xA;
	s2 =	sadd.s32 s3, s2  }
0x8d: {  	s2 =	sadd.s32 s2, s17  }
0x8e: {  	[smem:$0x3FC5] =	sst s2  }
0x8f: {  	_ = 	snop  }
0x90: {  	s2 =	sld [smem:$0x3FD0];
	(tm) =	ssettm $0x1  }
0x91: {  	s18 =	sld [smem:$0x3FFB];
	_ =	sdelay $0x3  }
0x92: {  	_ =	strace s18  }
0x93: {  	s3 =	sld [smem:$0x3FFC];
	_ =	sdelay $0x3  }
0x94: {  	_ =	strace s3  }
0x95: {  	s3 =	sld [smem:$0x3FFD];
	_ =	sdelay $0x3  }
0x96: {  	_ =	strace s3  }
0x97: {  	_ =	strace $0x8FFFFFFF  }
0x98: {  	s19 =	sld [smem:$0x3FDB];
	_ =	sdelay $0x1  }
0x99: {  	s4 =	simm.s32 $_scs_section_size  }
0x9a: {  	s5 =	simm.s32 $_size__tile_overlayer_lowered;
	s6 =	simm.s32 $_tile_overlayer_lowered  }
0x9b: {  	s22 =	simm.s32 $0x1BFF;
	s21 =	sshll.u32 s6, $0x1;
	s3 =	sadd.s32 s4, s19  }
0x9c: {  	s7 =	simm.s32 $0x0;
	s20 =	sshll.u32 s5, $0x1;
	s5 =	sadd.s32 s21, s3  }
0x9d: {  	[timem:s7], [sflag:s22] =	dma.local [hbm:s5], s20  }
0x9e: {  	_ =	swait.ge [sflag:s22], s20  }
0x9f: {  	s4 =	ssub.s32 $0x0, s20;
	[sflag:s22] =	ssyncset.done $0x0  }
0xa0: {  	[sflag:s22] =	ssyncadd.s32 s4;
	_ =	sdelay $0x1  }
0xa1: {  	s23 =	simm.s32 $0x1B8B  }
0xa2: {  	_ =	swait.ge [sflag:s23], $0x1  }
0xa3: {  	[sflag:s23] =	ssyncset.done $0x0  }
0xa4: {  	s25 =	simm.s32 $0x1B8E;
	s24 =	sld [smem:$0x3FFE];
	[sflag:s23] =	ssyncadd.s32 $0xFFFFFFFF  }
0xa5: {  	s26 =	simm.s32 $execute0_lowered;
	[smem:$0x3FD2] =	sst s25  }
0xa6: {  	s5 =	sshll.u32 s26, $0x1;
	_ =	strace $0x80000046;
	[dreg:$0x1] =	wrdreg $0xFFFFFFFF  }
0xa7: {  	s28 =	simm.s32 $_size_execute0_lowered;
	s3 =	sadd.s32 s3, s5;
	[dreg:$0x0] =	wrdreg $0x0  }
0xa8: {  	s5 =	sshll.u32 s28, $0x1;
	[dreg:$0x2] =	wrdreg s3  }
0xa9: {  	[dreg:$0x3] =	wrdreg s5  }
0xaa: {  	[dreg:$0x4] =	wrdreg $0xC0  }
0xab: {  	_ =	task [dreg:s7], $0x5FFFF  }
0xac: {  	[dreg:$0x1] =	wrdreg $0xFFFFFFFF  }
0xad: {  	[dreg:$0x0] =	wrdreg $0x60  }
0xae: {  	[dreg:$0x2] =	wrdreg s2  }
0xaf: {  	[dreg:$0x3] =	wrdreg s24  }
0xb0: {  	[dreg:$0x4] =	wrdreg $0x0  }
0xb1: {  	[dreg:$0x5] =	wrdreg $0x13C000  }
0xb2: {  	[dreg:$0x6] =	wrdreg $0x9  }
0xb3: {  	_ =	task.clear_ibuf [dreg:s7], $0x7FFFF;
	_ =	strace $0x90000046  }
0xb4: {  	s29 =	simm.s32 $0x9;
	_ =	strace $0x80000048  }
0xb5: {  	_ =	swait.ge [sflag:s29], $0x1  }
0xb6: {  	[sflag:s29] =	ssyncadd.s32 $0xFFFFFFFF  }
0xb7: {  	_ =	strace $0x90000048  }
0xb8: {  	_ =	sfence  }
0xb9: {  	s30 =	sld [smem:$0x0];
	_ =	sdelay $0x2  }
0xba: {  	s31 =	sshll.u32 s1, $0xD;
	s1 =	sshrl.u32 s1, $0x2  }
0xbb: {  	s3 =	sand.u32 $0x4000, s31;
	s1 =	sadd.s32 s1, s30  }
0xbc: {  	s0 =	sor.u32 s3, s0;
	s1 =	sshll.u32 s1, $0x11  }
0xbd: {  	s0 =	sor.u32 s1, s0  }
0xbe: {  	s0 =	sadd.s32 $0x8F2B, s0  }
0xbf: {  	[sflag:s0] =	ssyncadd.remote.s32 $0x1  }
0xc0: {  	_ =	sfence.sel $0xFFFF  }
0xc1: {  	[dreg:$0x0] =	wrdreg $0xFFFFFFFF;
	(pc) =	sbr.abs _section_cstart, $3  }
0xc2: {  	[dreg:$0x1] =	wrdreg $0xFFFFFFFF  }
0xc3: {  	_ =	task.clear_ibuf [dreg:s7], $0x2FFFF;
	_ =	strace $0x9FFFFFFF  }
0xc4: {  	(tm) =	ssettm $0x7FFFFFFF  }
0xc5: {  	_ =	shalt  }
tec
execute0_lowered:
.L_overlay_start_1:
0x0: {  	(tag) =	ssettag $0x1  }
0x1: {  	s1 =	rddreg [dreg:$0x0]  }
0x2: {  	s0 =	rddreg [dreg:$0x1]  }
0x3: {  	s2 =	rddreg [dreg:$0x2]  }
0x4: {  	s4 =	rddreg [dreg:$0x3];
	s16 =	stileid.u32  }
0x5: {  	s5 =	simm.s32 $0x0;
	s3 =	srdreg.scid;
	s7 =	smul.u32 $0x13C00, s16  }
0x6: {  	[smem:$0x7FF] =	sst s5;
	s3 =	sand.u32 $0x1, s3;
	s9 =	smul.u32 $0x13C0, s16  }
0x7: {  	s6 =	sadd.s32 $0x1400, s0;
	s23 =	sadd.s32 $0x1200, s0;
	s15 =	smul.u32 $0x4F000, s16  }
0x8: {  	s28 =	smul.u32 $0x4F00, s16;
	s29 =	sadd.s32 $0x1280, s0;
	_ =	strace $0x80000047  }
0x9: {  	s8 =	smul.u32 $0x13C000, s3;
	s10 =	sshll.u32 s3, $0x4;
	[dreg:$0x7] =	wrdreg s23  }
0xa: {  	s11 =	smul.u32 $0x13C00, s3;
	[dreg:$0x9] =	wrdreg s29;
	s12 =	sor.u32 s16, s10  }
0xb: {  	s26 =	sshrl.u32 s15, $0x2;
	s15 =	sadd.s32 s7, s2;
	s18 =	sshrl.u32 s28, $0x2  }
0xc: {  	s8 =	sadd.s32 s7, s8;
	s24 =	smul.u32 $0x4E, s12;
	s11 =	sadd.s32 s9, s11  }
0xd: {  	s13 =	smul.u32 $0x2700, s12;
	s7 =	sadd.s32 s18, s4;
	[dreg:$0xa] =	wrdreg s15  }
0xe: {  	s8 =	sshrl.u32 s8, $0x3;
	s19 =	sadd.s32 $0x278, s7;
	[dreg:$0x5] =	wrdreg s24  }
0xf: {  	s11 =	sshrl.u32 s11, $0x3;
	s20 =	sadd.s32 $0x4F0, s7;
	[dreg:$0x10] =	wrdreg s19  }
0x10: {  	s21 =	sadd.s32 $0x768, s7;
	s22 =	sadd.s32 $0x9E0, s7;
	[dreg:$0x11] =	wrdreg s20  }
0x11: {  	s23 =	sadd.s32 $0xC58, s7;
	s8 =	sadd.s32 s8, s0;
	[dreg:$0x12] =	wrdreg s21  }
0x12: {  	s11 =	sadd.s32 s11, s0;
	s25 =	sshrl.u32 s13, $0x3;
	[dreg:$0x13] =	wrdreg s22  }
0x13: {  	s13 =	sadd.s32 s26, s2;
	s0 =	sadd.s32 $0xB040, s0;
	[dreg:$0x14] =	wrdreg s23  }
0x14: {  	s30 =	sadd.s32 $0x4000, s13;
	[dreg:$0x6] =	wrdreg s0  }
0x15: {  	s3 =	ssub.s32 $0x2, s3;
	s31 =	sadd.s32 $0x8000, s13;
	[dreg:$0xb] =	wrdreg s30  }
0x16: {  	s14 =	sshrl.u32 s3, $0x1;
	s17 =	sadd.s32 $0xC000, s13;
	[dreg:$0xc] =	wrdreg s31  }
0x17: {  	s3 =	ssub.s32 s3, s14;
	s13 =	sadd.s32 $0x10000, s13;
	[dreg:$0xd] =	wrdreg s17  }
0x18: {  	s10 =	sadd.s32 s6, s25;
	s25 =	sadd.s32 $0xED0, s7;
	[dreg:$0xe] =	wrdreg s13  }
0x19: {  	p0 =	sgt.u32 s12, $0x3;
	s7 =	sadd.s32 $0x1148, s7;
	[dreg:$0x15] =	wrdreg s25  }
0x1a: {  	s14 =	simm.s32 $0x0;
	s28 =	sadd.s32 $0x19E00, s8;
	[dreg:$0x16] =	wrdreg s7  }
0x1b: {  	s24 =	sshll.u32 s16, $0x4;
	s29 =	sadd.s32 $0x14E00, s11;
	[dreg:$0x19] =	wrdreg s28  }
0x1c: {  	s16 =	simm.s32 $0x1E2C0;
	s0 =	sadd.s32 s24, s6;
	[dreg:$0x1a] =	wrdreg s29  }
0x1d: {  	s23 =	simm.s32 $0x1E6C0;
	s26 =	sadd.s32 $0x9C00, s0;
	[dreg:$0x8] =	wrdreg s10  }
.Ltmp0:
0x1e: {  	s0 =	sadd.s32 $0x13840, s0;
	[dreg:$0x17] =	wrdreg s26;
	(pc) =	sbr.rel .LBB2_1-.Ltmp0, $4  }
0x1f: {  	s24 =	simm.s32 $0x1;
	s30 =	smax.u32 s3, $0x1;
	[dreg:$0x18] =	wrdreg s0  }
0x20: {  	s11 =	simm.s32 $0x80;
	s31 =	sadd.s32 $0x9C40, s10;
	[dreg:$0x1b] =	wrdreg s30  }
0x21: {  	s13 =	sadd.s32 s9, s4;
	s3 =	simm.s32 $0x2;
	[dreg:$0x1c] =	wrdreg s31  }
0x22: {  	v0 =	vimm.f32 $0.0e+00;
	s7 =	simm.s32 $0x6;
	s9 =	simm.s32 $0x7;
	[dreg:$0xf] =	wrdreg s13  }
.LBB2_7:
0x23: {  	s0 =	stileid.u32;
	[bflag:$0x0] =	sbarrier.arrive $0xFFFF  }
0x24: {  	s0 =	sshll.u32 s0, $0x6;
	s15 =	rddreg [dreg:$0xa]  }
0x25: {  	s12 =	rddreg [dreg:$0x19];
	s8 =	sor.u32 $0x1C01, s0;
	s10 =	sshrl.u32 s15, $0x3  }
0x26: {  	[hbm:s12], [sflag:s8] =	dma.local [spmem:s10], $0x2780  }
0x27: {  	s13 =	rddreg [dreg:$0xf]  }
0x28: {  	s0 =	sor.u32 $0x1C02, s0;
	s10 =	rddreg [dreg:$0x1a];
	s30 =	sshrl.u32 s13, $0x3  }
0x29: {  	[hbm:s10], [sflag:s0] =	dma.local [spmem:s30], $0x278  }
0x2a: {  	_ =	swait.ge [sflag:s24], $0x2780  }
0x2b: {  	[sflag:s24] =	ssyncset.done $0x0  }
0x2c: {  	[sflag:s24] =	ssyncadd.s32 $0xFFFFD880  }
0x2d: {  	_ =	swait.ge [sflag:s3], $0x278  }
0x2e: {  	s14 =	sadd.s32 $0x1, s14;
	s31 =	rddreg [dreg:$0x1b]  }
0x2f: {  	p1 =	sne.s32 s14, s31  }
.Ltmp1:
0x30: {  	_ = 	snop;
	(pc) =	sbr.rel @!p1 .LBB2_8-.Ltmp1, $3  }
0x31: {  	_ =	sdelay $0x1  }
0x32: {  	[sflag:s3] =	ssyncset.done $0x0  }
0x33: {  	[sflag:s3] =	ssyncadd.s32 $0xFFFFFD88  }
.LBB2_1:
0x34: {  	s0 =	rddreg [dreg:$0x8]  }
0x35: {  	s8 =	simm.s32 $0x14FC0;
	s25 =	rddreg [dreg:$0x1c]  }
0x36: {  	[tilespmem:s8], [sflag:$0x3] =	stream.linear.gather [hbm4b:s0+s5], $0x300, $0x38;
	[tilespmem:$0x1E938] =	vst v63  }
0x37: {  	s26 =	simm.s32 $0x158C0;
	s28 =	rddreg [dreg:$0x7];
	s30 =	sand.u32 $0xFE00, s5  }
0x38: {  	[tilespmem:s26], [sflag:$0x3] =	stream.linear.gather [hbm4b:s25+s5], $0x300, $0x38;
	[tilespmem:$0x1E938] =	vst v63  }
0x39: {  	s29 =	rddreg [dreg:$0x9];
	s31 =	sand.u32 $0x70, s5;
	s17 =	sshrl.u32 s30, $0x2  }
0x3a: {  	[tilespmem:s16], [sflag:$0x1] =	stream.linear.gather [hbm4b:s28+s5], $0x400, $0x38;
	[tilespmem:$0x1E938] =	vst v63  }
0x3b: {  	s8 =	simm.s32 $0x40;
	s17 =	sor.u32 s31, s17;
	s16 =	simm.s32 $0x0  }
0x3c: {  	[tilespmem:s23], [sflag:$0x2] =	stream.linear.gather [hbm4b:s29+s5], $0x278, $0x38;
	[tilespmem:$0x1E938] =	vst v63  }
.LBB2_2:
0x3d: {  	p1 =	sne.s32 s8, $0xFFC0  }
0x3e: {  	[tilespmem:s17+$0x162C0] =	vst v0;
	s16 =	sadd.s32 $0x10, s16;
	s17 =	smov.u32 s8;
	s8 =	sadd.s32 $0x40, s8  }
.Ltmp2:
0x3f: {  	(pc) =	sbr.rel @p1 .LBB2_2-.Ltmp2, $4  }
0x40: {  	_ = 	snop  }
0x41: {  	s17 =	sand.u32 $0xFE00, s17  }
0x42: {  	s18 =	sand.u32 $0x70, s16;
	s17 =	sshrl.u32 s17, $0x2  }
0x43: {  	s17 =	sor.u32 s18, s17  }
0x44: {  	[tilespmem:s17+$0x162C0] =	vst v0  }
0x45: {  	_ =	swait.ge [sflag:s24], $0x400  }
0x46: {  	[sflag:s24] =	ssyncset.done $0x0  }
0x47: {  	[sflag:s24] =	ssyncadd.s32 $0xFFFFFC00  }
0x48: {  	_ =	swait.ge [sflag:s3], $0x278  }
0x49: {  	[sflag:s3] =	ssyncset.done $0x0  }
0x4a: {  	s8 =	simm.s32 $0x162C0;
	[sflag:s3] =	ssyncadd.s32 $0xFFFFFD88  }
0x4b: {  	[spmem:s15] =	stream.linear.scatter [tilespmem:s8], [sflag:$0x6], $0x4000, $0x38;
	[tilespmem:$0x1E938] =	vst v63  }
0x4c: {  	s0 =	rddreg [dreg:$0xb]  }
0x4d: {  	[spmem:s0] =	stream.linear.scatter [tilespmem:s8], [sflag:$0x6], $0x4000, $0x38;
	[tilespmem:$0x1E938] =	vst v63  }
0x4e: {  	s17 =	rddreg [dreg:$0xc]  }
0x4f: {  	[spmem:s17] =	stream.linear.scatter [tilespmem:s8], [sflag:$0x6], $0x4000, $0x38;
	[tilespmem:$0x1E938] =	vst v63  }
0x50: {  	s18 =	rddreg [dreg:$0xd]  }
0x51: {  	[spmem:s18] =	stream.linear.scatter [tilespmem:s8], [sflag:$0x6], $0x4000, $0x38;
	[tilespmem:$0x1E938] =	vst v63  }
0x52: {  	s19 =	rddreg [dreg:$0xe]  }
0x53: {  	[spmem:s19] =	stream.linear.scatter [tilespmem:s8], [sflag:$0x6], $0x3C00, $0x38;
	[tilespmem:$0x1E938] =	vst v63  }
0x54: {  	_ = 	snop  }
0x55: {  	[spmem:s13] =	stream.linear.scatter [tilespmem:s23], [sflag:$0x7], $0x278, $0x38;
	[tilespmem:$0x1E938] =	vst v63  }
0x56: {  	s20 =	rddreg [dreg:$0x10]  }
0x57: {  	[spmem:s20] =	stream.linear.scatter [tilespmem:s23], [sflag:$0x7], $0x278, $0x38;
	[tilespmem:$0x1E938] =	vst v63  }
0x58: {  	s21 =	rddreg [dreg:$0x11]  }
0x59: {  	[spmem:s21] =	stream.linear.scatter [tilespmem:s23], [sflag:$0x7], $0x278, $0x38;
	[tilespmem:$0x1E938] =	vst v63  }
0x5a: {  	s22 =	rddreg [dreg:$0x12]  }
0x5b: {  	[spmem:s22] =	stream.linear.scatter [tilespmem:s23], [sflag:$0x7], $0x278, $0x38;
	[tilespmem:$0x1E938] =	vst v63  }
0x5c: {  	s25 =	rddreg [dreg:$0x13]  }
0x5d: {  	[spmem:s25] =	stream.linear.scatter [tilespmem:s23], [sflag:$0x7], $0x278, $0x38;
	[tilespmem:$0x1E938] =	vst v63  }
0x5e: {  	s26 =	rddreg [dreg:$0x14]  }
0x5f: {  	[spmem:s26] =	stream.linear.scatter [tilespmem:s23], [sflag:$0x7], $0x278, $0x38;
	[tilespmem:$0x1E938] =	vst v63  }
0x60: {  	s28 =	rddreg [dreg:$0x15]  }
0x61: {  	[spmem:s28] =	stream.linear.scatter [tilespmem:s23], [sflag:$0x7], $0x278, $0x38;
	[tilespmem:$0x1E938] =	vst v63  }
0x62: {  	s29 =	rddreg [dreg:$0x16]  }
0x63: {  	[spmem:s29] =	stream.linear.scatter [tilespmem:s23], [sflag:$0x7], $0x278, $0x38;
	[tilespmem:$0x1E938] =	vst v63  }
0x64: {  	_ =	swait.ge [sflag:s7], $0x4000  }
0x65: {  	[sflag:s7] =	ssyncset.done $0x0  }
0x66: {  	[sflag:s7] =	ssyncadd.s32 $0xFFFFC000  }
0x67: {  	_ =	swait.ge [sflag:s7], $0x4000  }
0x68: {  	[sflag:s7] =	ssyncset.done $0x0  }
0x69: {  	[sflag:s7] =	ssyncadd.s32 $0xFFFFC000  }
0x6a: {  	_ =	swait.ge [sflag:s7], $0x4000  }
0x6b: {  	[sflag:s7] =	ssyncset.done $0x0  }
0x6c: {  	[sflag:s7] =	ssyncadd.s32 $0xFFFFC000  }
0x6d: {  	_ =	swait.ge [sflag:s7], $0x4000  }
0x6e: {  	[sflag:s7] =	ssyncset.done $0x0  }
0x6f: {  	[sflag:s7] =	ssyncadd.s32 $0xFFFFC000  }
0x70: {  	_ =	swait.ge [sflag:s7], $0x3C00  }
0x71: {  	[sflag:s7] =	ssyncset.done $0x0  }
0x72: {  	[sflag:s7] =	ssyncadd.s32 $0xFFFFC400  }
0x73: {  	_ =	swait.ge [sflag:s9], $0x278  }
0x74: {  	[sflag:s9] =	ssyncset.done $0x0  }
0x75: {  	[sflag:s9] =	ssyncadd.s32 $0xFFFFFD88  }
0x76: {  	_ =	swait.ge [sflag:s9], $0x278  }
0x77: {  	[sflag:s9] =	ssyncset.done $0x0  }
0x78: {  	[sflag:s9] =	ssyncadd.s32 $0xFFFFFD88  }
0x79: {  	_ =	swait.ge [sflag:s9], $0x278  }
0x7a: {  	[sflag:s9] =	ssyncset.done $0x0  }
0x7b: {  	[sflag:s9] =	ssyncadd.s32 $0xFFFFFD88  }
0x7c: {  	_ =	swait.ge [sflag:s9], $0x278  }
0x7d: {  	[sflag:s9] =	ssyncset.done $0x0  }
0x7e: {  	[sflag:s9] =	ssyncadd.s32 $0xFFFFFD88  }
0x7f: {  	_ =	swait.ge [sflag:s9], $0x278  }
0x80: {  	[sflag:s9] =	ssyncset.done $0x0  }
0x81: {  	[sflag:s9] =	ssyncadd.s32 $0xFFFFFD88  }
0x82: {  	s8 =	simm.s32 $0x0;
	_ =	swait.ge [sflag:s9], $0x278  }
0x83: {  	s16 =	smul.u32 $0xAB, s8;
	[sflag:s9] =	ssyncset.done $0x0  }
0x84: {  	[sflag:s9] =	ssyncadd.s32 $0xFFFFFD88  }
0x85: {  	s16 =	sshrl.u32 s16, $0xA;
	_ =	swait.ge [sflag:s9], $0x278  }
0x86: {  	s16 =	sand.u32 $0x3F, s16;
	[sflag:s9] =	ssyncset.done $0x0  }
0x87: {  	p3 =	por $0x1, $0x1;
	s30 =	smul.u32 $0x6, s16;
	[sflag:s9] =	ssyncadd.s32 $0xFFFFFD88  }
0x88: {  	s19 =	sand.u32 @!p3 $0x1, s8;
	_ =	swait.ge [sflag:s9], $0x278  }
0x89: {  	s18 =	smul.u32 $0x56, s16;
	s17 =	ssub.s32 $0x0, s30;
	[sflag:s9] =	ssyncset.done $0x0  }
0x8a: {  	s19 =	sor.u32 @!p3 $0x6, s19;
	s17 =	sand.u32 $0xFF, s17;
	[sflag:s9] =	ssyncadd.s32 $0xFFFFFD88  }
0x8b: {  	s18 =	sshrl.u32 s18, $0x8;
	p2 =	sne.s32 s17, $0x0;
	[bflag:$0x0] =	sbarrier.arrive $0xFFFF  }
0x8c: {  	s18 =	smul.u32 $0x3, s18;
	p1 =	por @!p2 $0x0, $0x0;
	_ =	swait.ge @!p3 [sflag:s19], $0x4000  }
0x8d: {  	p1 =	por p1, p2;
	[sflag:s19] =	ssyncset.done @!p3 $0x0  }
0x8e: {  	s18 =	ssub.s32 s16, s18;
	s16 =	sadd.s32 @!p1 $0x1, s16;
	[sflag:s19] =	ssyncadd.s32 @!p3 $0xFFFFC000  }
0x8f: {  	s20 =	smul.u32 @!p1 $0x56, s16;
	_ =	swait.ge @!p3 [sflag:s19], $0x400  }
0x90: {  	s18 =	sand.u32 $0xFF, s18;
	[sflag:s19] =	ssyncset.done @!p3 $0x0  }
0x91: {  	s20 =	sshrl.u32 @!p1 s20, $0x8;
	[sflag:s19] =	ssyncadd.s32 @!p3 $0xFFFFFC00;
	s19 =	sadd.s32 @!p2 $0x3, s18  }
0x92: {  	s20 =	smul.u32 @!p1 $0x3, s20;
	_ =	swait.ge @!p2 [sflag:s19], $0x300  }
0x93: {  	[sflag:s19] =	ssyncset.done @!p2 $0x0  }
0x94: {  	s20 =	ssub.s32 @!p1 s16, s20;
	[sflag:s19] =	ssyncadd.s32 @!p2 $0xFFFFFD00  }
0x95: {  	s16 =	smul.u32 @!p1 $0x6, s16;
	s20 =	sand.u32 @!p1 $0xFF, s20;
	_ =	swait.ge @!p2 [sflag:s19], $0x300  }
0x96: {  	s22 =	smul.u32 @!p1 $0x300, s20;
	s21 =	rddreg [dreg:$0x5]  }
0x97: {  	s20 =	sadd.s32 @!p1 $0x3, s20;
	s18 =	smul.u32 $0x300, s18;
	s16 =	sadd.s32 @!p1 s21, s16  }
0x98: {  	[sflag:s19] =	ssyncset.done @!p2 $0x0;
	s21 =	sadd.s32 @!p1 $0x14FC0, s22;
	s16 =	sshll.u32 @!p1 s16, $0x4  }
0x99: {  	[sflag:s19] =	ssyncadd.s32 @!p2 $0xFFFFFD00;
	s19 =	simm.s32 @!p1 $0x0;
	s25 =	sadd.s32 @!p1 s6, s16  }
0x9a: {  	[tilespmem:s21], [sflag:s20] =	stream.linear.gather @!p1 [hbm4b:s25+s19], $0x300, $0x38;
	[tilespmem:$0x1E938] =	vst v63  }
0x9b: {  	s17 =	sshll.u32 s17, $0x7;
	s21 =	rddreg [dreg:$0x6]  }
0x9c: {  	s17 =	sadd.s32 s17, s18;
	s22 =	sadd.s32 @!p1 $0x158C0, s22;
	s16 =	sadd.s32 @!p1 s16, s21  }
0x9d: {  	[tilespmem:s22], [sflag:s20] =	stream.linear.gather @!p1 [hbm4b:s16+s19], $0x300, $0x38;
	[tilespmem:$0x1E938] =	vst v63  }
0x9e: {  	v1 =	vld [tilespmem:s17+$0x14FC0]  }
0x9f: {  	v2 =	vld [tilespmem:s17+$0x158C0];
	_ =	sdelay $0x4  }
0xa0: {  	s19 =	sand.u32 $0x1, s8;
	vm0 =	veq.s32 v1, v2  }
0xa1: {  	s18 =	sshll.u32 s19, $0x7;
	v1 =	vsel vm0, $0x2710, v1  }
0xa2: {  	[tilespmem:s18+$0x161C0] =	vst v1  }
0xa3: {  	v1 =	vld [tilespmem:s17+$0x14FD0]  }
0xa4: {  	v2 =	vld [tilespmem:s17+$0x158D0];
	_ =	sdelay $0x4  }
0xa5: {  	vm12 =	veq.s32 v1, v2  }
0xa6: {  	v1 =	vsel vm12, $0x2710, v1  }
0xa7: {  	[tilespmem:s18+$0x161D0] =	vst v1  }
0xa8: {  	v1 =	vld [tilespmem:s17+$0x14FE0]  }
0xa9: {  	v2 =	vld [tilespmem:s17+$0x158E0];
	_ =	sdelay $0x4  }
0xaa: {  	vm13 =	veq.s32 v1, v2  }
0xab: {  	v1 =	vsel vm13, $0x2710, v1  }
0xac: {  	[tilespmem:s18+$0x161E0] =	vst v1  }
0xad: {  	v1 =	vld [tilespmem:s17+$0x14FF0]  }
0xae: {  	v2 =	vld [tilespmem:s17+$0x158F0];
	_ =	sdelay $0x4  }
0xaf: {  	vm14 =	veq.s32 v1, v2  }
0xb0: {  	v1 =	vsel vm14, $0x2710, v1  }
0xb1: {  	[tilespmem:s18+$0x161F0] =	vst v1  }
0xb2: {  	v1 =	vld [tilespmem:s17+$0x15000]  }
0xb3: {  	v2 =	vld [tilespmem:s17+$0x15900];
	_ =	sdelay $0x4  }
0xb4: {  	vm15 =	veq.s32 v1, v2  }
0xb5: {  	v1 =	vsel vm15, $0x2710, v1  }
0xb6: {  	p2 =	por $0x1, $0x1;
	[tilespmem:s18+$0x16200] =	vst v1  }
0xb7: {  	s31 =	simm.s32 @!p2 $0x1E2C0;
	s8 =	sxor.u32 @!p2 $0x1, s19;
	v1 =	vld [tilespmem:s17+$0x15010]  }
0xb8: {  	s16 =	simm.s32 $0x1;
	s21 =	sshll.u32 s19, $0xE;
	s20 =	sshll.u32 @!p2 s8, $0x7;
	v2 =	vld [tilespmem:s17+$0x15910]  }
.LBB2_4:
0xb9: {  	_ =	sdelay $0x3  }
0xba: {  	vm0 =	veq.s32 v1, v2  }
0xbb: {  	v1 =	vsel vm0, $0x2710, v1  }
0xbc: {  	s22 =	smov.u32 s16;
	[tilespmem:s18+$0x16210] =	vst v1  }
0xbd: {  	s25 =	smul.u32 $0xAB, s22;
	v1 =	vld [tilespmem:s17+$0x15020]  }
0xbe: {  	v2 =	vld [tilespmem:s17+$0x15920]  }
0xbf: {  	s25 =	sshrl.u32 s25, $0xA  }
0xc0: {  	s26 =	sand.u32 $0x3F, s25  }
0xc1: {  	s28 =	smul.u32 $0x6, s26  }
0xc2: {  	s25 =	smul.u32 $0x56, s26  }
0xc3: {  	s28 =	ssub.s32 s22, s28;
	vm9 =	veq.s32 v1, v2  }
0xc4: {  	s12 =	sshrl.u32 s25, $0x8;
	s25 =	sand.u32 $0xFF, s28;
	v1 =	vsel vm9, $0x2710, v1  }
0xc5: {  	p5 =	sne.s32 s25, $0x0;
	[tilespmem:s18+$0x16220] =	vst v1  }
0xc6: {  	p3 =	sgt.u32 @!p5 s22, $0x47;
	v1 =	vld [tilespmem:s17+$0x15030]  }
0xc7: {  	p3 =	por p3, p5;
	v2 =	vld [tilespmem:s17+$0x15930]  }
0xc8: {  	s0 =	sadd.s32 @!p3 $0x1, s26  }
0xc9: {  	s10 =	smul.u32 @!p3 $0x56, s0;
	_ =	sdelay $0x1  }
0xca: {  	s10 =	sshrl.u32 @!p3 s10, $0x8  }
0xcb: {  	s15 =	sadd.s32 @!p2 $0x1, s8;
	s10 =	smul.u32 @!p3 $0x3, s10;
	vm10 =	veq.s32 v1, v2  }
0xcc: {  	s30 =	simm.s32 @!p2 $0x80;
	s19 =	sadd.s32 $0x1, s19;
	s21 =	sadd.s32 $0x162C0, s21;
	v1 =	vsel vm10, $0x2710, v1  }
0xcd: {  	s28 =	smul.u32 @!p3 $0x6, s0;
	s0 =	ssub.s32 @!p3 s0, s10;
	s10 =	sadd.s32 $0x158C0, s17;
	[tilespmem:s18+$0x16230] =	vst v1  }
0xce: {  	[tilespmem:s21], [sflag:s19] =	stream.indirect.gather [hbm4b:s1+s11], $0x80, s10, s11, $0xb8;
	[tilespmem:$0x1E938] =	vst v63  }
0xcf: {  	s13 =	sshll.u32 @!p2 s8, $0xE;
	s8 =	sor.u32 @!p2 $0x6, s8;
	_ =	swait.ge @!p2 [sflag:s15], $0x4000  }
0xd0: {  	p4 =	slt.u32 s22, $0x2;
	s13 =	sadd.s32 @!p2 $0x162C0, s13;
	[sflag:s15] =	ssyncset.done @!p2 $0x0  }
0xd1: {  	s29 =	sand.u32 @!p4 $0x1, s22;
	s17 =	sadd.s32 @!p2 $0x161C0, s20;
	[sflag:s15] =	ssyncadd.s32 @!p2 $0xFFFFC000  }
0xd2: {  	[spmem:s2] =	stream.indirect.scatter.add.f32 @!p2 [tilespmem:s13], [sflag:s8], $0x80, s17, s30, $0xb8;
	[tilespmem:$0x1E938] =	vst v63  }
0xd3: {  	s13 =	sor.u32 @!p4 $0x6, s29  }
0xd4: {  	[spmem:s4] =	stream.indirect.scatter.add.f32 @!p2 [tilespmem:s31], [sflag:s8], $0x8, s17, s30, $0xb8;
	[tilespmem:$0x1E938] =	vst v63  }
0xd5: {  	_ =	swait.ge @!p4 [sflag:s13], $0x4000  }
0xd6: {  	s12 =	smul.u32 $0x3, s12;
	[sflag:s13] =	ssyncset.done @!p4 $0x0  }
0xd7: {  	[sflag:s13] =	ssyncadd.s32 @!p4 $0xFFFFC000  }
0xd8: {  	s12 =	ssub.s32 s26, s12;
	_ =	swait.ge @!p4 [sflag:s13], $0x400  }
0xd9: {  	s12 =	sand.u32 $0xFF, s12;
	[sflag:s13] =	ssyncset.done @!p4 $0x0  }
0xda: {  	s8 =	sadd.s32 @!p5 $0x3, s12;
	[sflag:s13] =	ssyncadd.s32 @!p4 $0xFFFFFC00  }
0xdb: {  	_ =	swait.ge @!p5 [sflag:s8], $0x300  }
0xdc: {  	[sflag:s8] =	ssyncset.done @!p5 $0x0  }
0xdd: {  	s0 =	sand.u32 @!p3 $0xFF, s0;
	[sflag:s8] =	ssyncadd.s32 @!p5 $0xFFFFFD00  }
0xde: {  	s10 =	smul.u32 @!p3 $0x300, s0;
	_ =	swait.ge @!p5 [sflag:s8], $0x300  }
0xdf: {  	s26 =	smul.u32 $0x300, s12;
	s0 =	sadd.s32 @!p3 $0x3, s0;
	s12 =	rddreg [dreg:$0x5]  }
0xe0: {  	s15 =	sadd.s32 @!p3 $0x14FC0, s10;
	s30 =	sshll.u32 s25, $0x7;
	s12 =	sadd.s32 @!p3 s12, s28  }
0xe1: {  	s13 =	simm.s32 @!p3 $0x0;
	[sflag:s8] =	ssyncset.done @!p5 $0x0;
	s12 =	sshll.u32 @!p3 s12, $0x4  }
0xe2: {  	[sflag:s8] =	ssyncadd.s32 @!p5 $0xFFFFFD00;
	s8 =	rddreg [dreg:$0x6];
	s18 =	sadd.s32 @!p3 s6, s12  }
0xe3: {  	[tilespmem:s15], [sflag:s0] =	stream.linear.gather @!p3 [hbm4b:s18+s13], $0x300, $0x38;
	[tilespmem:$0x1E938] =	vst v63  }
0xe4: {  	s10 =	sadd.s32 @!p3 $0x158C0, s10;
	s17 =	sadd.s32 s30, s26;
	s8 =	sadd.s32 @!p3 s12, s8  }
0xe5: {  	[tilespmem:s10], [sflag:s0] =	stream.linear.gather @!p3 [hbm4b:s8+s13], $0x300, $0x38;
	[tilespmem:$0x1E938] =	vst v63  }
0xe6: {  	v1 =	vld [tilespmem:s17+$0x14FC0]  }
0xe7: {  	v2 =	vld [tilespmem:s17+$0x158C0];
	_ =	sdelay $0x4  }
0xe8: {  	s19 =	sand.u32 $0x1, s22;
	vm11 =	veq.s32 v1, v2  }
0xe9: {  	s18 =	sshll.u32 s19, $0x7;
	v1 =	vsel vm11, $0x2710, v1  }
0xea: {  	[tilespmem:s18+$0x161C0] =	vst v1  }
0xeb: {  	v1 =	vld [tilespmem:s17+$0x14FD0]  }
0xec: {  	v2 =	vld [tilespmem:s17+$0x158D0];
	_ =	sdelay $0x4  }
0xed: {  	vm12 =	veq.s32 v1, v2  }
0xee: {  	v1 =	vsel vm12, $0x2710, v1  }
0xef: {  	[tilespmem:s18+$0x161D0] =	vst v1  }
0xf0: {  	v1 =	vld [tilespmem:s17+$0x14FE0]  }
0xf1: {  	v2 =	vld [tilespmem:s17+$0x158E0];
	_ =	sdelay $0x4  }
0xf2: {  	vm13 =	veq.s32 v1, v2  }
0xf3: {  	v1 =	vsel vm13, $0x2710, v1  }
0xf4: {  	[tilespmem:s18+$0x161E0] =	vst v1  }
0xf5: {  	v1 =	vld [tilespmem:s17+$0x14FF0]  }
0xf6: {  	v2 =	vld [tilespmem:s17+$0x158F0];
	_ =	sdelay $0x4  }
0xf7: {  	vm14 =	veq.s32 v1, v2  }
0xf8: {  	v1 =	vsel vm14, $0x2710, v1  }
0xf9: {  	[tilespmem:s18+$0x161F0] =	vst v1  }
0xfa: {  	v1 =	vld [tilespmem:s17+$0x15000]  }
0xfb: {  	v2 =	vld [tilespmem:s17+$0x15900];
	_ =	sdelay $0x2  }
0xfc: {  	s16 =	sadd.s32 $0x1, s16  }
0xfd: {  	p1 =	sne.s32 s16, $0x4E  }
.Ltmp3:
0xfe: {  	vm15 =	veq.s32 v1, v2;
	(pc) =	sbr.rel @p1 .LBB2_4-.Ltmp3, $4  }
0xff: {  	v1 =	vsel vm15, $0x2710, v1  }
0x100: {  	p2 =	seq.s32 s22, $0x0;
	[tilespmem:s18+$0x16200] =	vst v1  }
0x101: {  	s8 =	sxor.u32 @!p2 $0x1, s19;
	v1 =	vld [tilespmem:s17+$0x15010]  }
0x102: {  	s21 =	sshll.u32 s19, $0xE;
	s31 =	simm.s32 @!p2 $0x1E2C0;
	s20 =	sshll.u32 @!p2 s8, $0x7;
	v2 =	vld [tilespmem:s17+$0x15910]  }
0x103: {  	_ =	sdelay $0x3  }
0x104: {  	vm0 =	veq.s32 v1, v2  }
0x105: {  	v1 =	vsel vm0, $0x2710, v1  }
0x106: {  	[tilespmem:s18+$0x16210] =	vst v1  }
0x107: {  	v1 =	vld [tilespmem:s17+$0x15020]  }
0x108: {  	v2 =	vld [tilespmem:s17+$0x15920];
	_ =	sdelay $0x4  }
0x109: {  	vm14 =	veq.s32 v1, v2  }
0x10a: {  	v1 =	vsel vm14, $0x2710, v1  }
0x10b: {  	[tilespmem:s18+$0x16220] =	vst v1  }
0x10c: {  	v1 =	vld [tilespmem:s17+$0x15030]  }
0x10d: {  	v2 =	vld [tilespmem:s17+$0x15930];
	_ =	sdelay $0x4  }
0x10e: {  	vm15 =	veq.s32 v1, v2  }
0x10f: {  	s0 =	sadd.s32 @!p2 $0x1, s8;
	v1 =	vsel vm15, $0x2710, v1  }
0x110: {  	s10 =	sadd.s32 $0x1, s19;
	s12 =	sadd.s32 $0x162C0, s21;
	s13 =	sadd.s32 $0x158C0, s17;
	[tilespmem:s18+$0x16230] =	vst v1  }
0x111: {  	[tilespmem:s12], [sflag:s10] =	stream.indirect.gather [hbm4b:s1+s11], $0x80, s13, s11, $0xb8;
	[tilespmem:$0x1E938] =	vst v63  }
0x112: {  	s10 =	sshll.u32 @!p2 s8, $0xE;
	_ =	swait.ge @!p2 [sflag:s0], $0x4000  }
0x113: {  	s12 =	simm.s32 @!p2 $0x80;
	s8 =	sor.u32 @!p2 $0x6, s8;
	[sflag:s0] =	ssyncset.done @!p2 $0x0  }
0x114: {  	s13 =	sadd.s32 @!p2 $0x161C0, s20;
	s10 =	sadd.s32 @!p2 $0x162C0, s10;
	[sflag:s0] =	ssyncadd.s32 @!p2 $0xFFFFC000  }
0x115: {  	[spmem:s2] =	stream.indirect.scatter.add.f32 @!p2 [tilespmem:s10], [sflag:s8], $0x80, s13, s12, $0xb8;
	[tilespmem:$0x1E938] =	vst v63  }
0x116: {  	_ = 	snop  }
0x117: {  	[spmem:s4] =	stream.indirect.scatter.add.f32 @!p2 [tilespmem:s31], [sflag:s8], $0x8, s13, s12, $0xb8;
	[tilespmem:$0x1E938] =	vst v63  }
0x118: {  	_ =	swait.ge [sflag:s3], $0x4000  }
0x119: {  	[sflag:s3] =	ssyncset.done $0x0  }
0x11a: {  	s30 =	simm.s32 $0x16240;
	s31 =	simm.s32 $0x1A2C0;
	[sflag:s3] =	ssyncadd.s32 $0xFFFFC000  }
0x11b: {  	[spmem:s2] =	stream.indirect.scatter.add.f32 [tilespmem:s31], [sflag:$0x7], $0x80, s30, s11, $0xb8;
	[tilespmem:$0x1E938] =	vst v63  }
0x11c: {  	s16 =	simm.s32 $0x1E2C0  }
0x11d: {  	[spmem:s4] =	stream.indirect.scatter.add.f32 [tilespmem:s16], [sflag:$0x7], $0x8, s30, s11, $0xb8;
	[tilespmem:$0x1E938] =	vst v63  }
0x11e: {  	_ =	swait.ge [sflag:s7], $0x4000  }
0x11f: {  	[sflag:s7] =	ssyncset.done $0x0  }
0x120: {  	[sflag:s7] =	ssyncadd.s32 $0xFFFFC000  }
0x121: {  	_ =	swait.ge [sflag:s7], $0x400  }
0x122: {  	[sflag:s7] =	ssyncset.done $0x0  }
0x123: {  	[sflag:s7] =	ssyncadd.s32 $0xFFFFFC00  }
0x124: {  	_ =	swait.ge [sflag:s9], $0x4000  }
.Ltmp4:
0x125: {  	[sflag:s9] =	ssyncset.done $0x0;
	(pc) =	sbr.rel @p0 .LBB2_7-.Ltmp4, $4  }
0x126: {  	[sflag:s9] =	ssyncadd.s32 $0xFFFFC000  }
0x127: {  	_ =	swait.ge [sflag:s9], $0x400  }
0x128: {  	[sflag:s9] =	ssyncset.done $0x0  }
0x129: {  	[sflag:s9] =	ssyncadd.s32 $0xFFFFFC00  }
0x12a: {  	s0 =	rddreg [dreg:$0x17];
	s8 =	simm.s32 $0x14FC0;
	s10 =	simm.s32 $0x8  }
0x12b: {  	[tilespmem:s8], [sflag:$0x8] =	stream.linear.gather [hbm4b:s0+s5], $0x80, $0x38;
	[tilespmem:$0x1E938] =	vst v63  }
0x12c: {  	_ =	swait.ge [sflag:s10], $0x80  }
0x12d: {  	[sflag:s10] =	ssyncset.done $0x0  }
0x12e: {  	s29 =	simm.s32 $0x158C0;
	s28 =	rddreg [dreg:$0x18];
	[sflag:s10] =	ssyncadd.s32 $0xFFFFFF80  }
0x12f: {  	[tilespmem:s29], [sflag:$0x8] =	stream.linear.gather [hbm4b:s28+s5], $0x80, $0x38;
	[tilespmem:$0x1E938] =	vst v63  }
0x130: {  	_ =	swait.ge [sflag:s10], $0x80  }
0x131: {  	[sflag:s10] =	ssyncset.done $0x0  }
0x132: {  	[sflag:s10] =	ssyncadd.s32 $0xFFFFFF80  }
0x133: {  	v1 =	vld [tilespmem:$0x14FC0]  }
0x134: {  	v2 =	vld [tilespmem:$0x158C0]  }
0x135: {  	v3 =	vld [tilespmem:$0x14FD0]  }
0x136: {  	v4 =	vld [tilespmem:$0x158D0]  }
0x137: {  	v5 =	vld [tilespmem:$0x14FE0]  }
0x138: {  	v6 =	vld [tilespmem:$0x158E0]  }
0x139: {  	v7 =	vld [tilespmem:$0x14FF0]  }
0x13a: {  	v8 =	vld [tilespmem:$0x158F0]  }
0x13b: {  	v9 =	vld [tilespmem:$0x15000]  }
0x13c: {  	v10 =	vld [tilespmem:$0x15900]  }
0x13d: {  	v11 =	vld [tilespmem:$0x15010]  }
0x13e: {  	v12 =	vld [tilespmem:$0x15910]  }
0x13f: {  	v13 =	vld [tilespmem:$0x15020]  }
0x140: {  	v63 =	vld [tilespmem:$0x15030];
	vm0 =	veq.s32 v1, v2  }
0x141: {  	v2 =	vld [tilespmem:$0x15920];
	vm9 =	veq.s32 v3, v4;
	v1 =	vsel vm0, $0x2710, v1  }
0x142: {  	vm10 =	veq.s32 v5, v6;
	[tilespmem:$0x161C0] =	vst v1;
	v1 =	vsel vm9, $0x2710, v3;
	v3 =	vld [tilespmem:$0x15930]  }
0x143: {  	vm11 =	veq.s32 v7, v8;
	[tilespmem:$0x161D0] =	vst v1;
	v1 =	vsel vm10, $0x2710, v5  }
0x144: {  	vm12 =	veq.s32 v9, v10;
	[tilespmem:$0x161E0] =	vst v1;
	v1 =	vsel vm11, $0x2710, v7  }
0x145: {  	vm13 =	veq.s32 v11, v12;
	[tilespmem:$0x161F0] =	vst v1;
	v1 =	vsel vm12, $0x2710, v9  }
0x146: {  	vm14 =	veq.s32 v13, v2;
	[tilespmem:$0x16200] =	vst v1;
	v1 =	vsel vm13, $0x2710, v11  }
0x147: {  	[tilespmem:$0x16210] =	vst v1;
	v1 =	vsel vm14, $0x2710, v13;
	vm15 =	veq.s32 v63, v3  }
0x148: {  	[tilespmem:$0x16220] =	vst v1;
	v1 =	vsel vm15, $0x2710, v63  }
0x149: {  	s30 =	simm.s32 $0x162C0;
	[tilespmem:$0x16230] =	vst v1  }
0x14a: {  	[tilespmem:s30], [sflag:$0x1] =	stream.indirect.gather [hbm4b:s1+s11], $0x80, s29, s11, $0xb8;
	[tilespmem:$0x1E938] =	vst v63  }
0x14b: {  	_ =	swait.ge [sflag:s24], $0x4000  }
0x14c: {  	[sflag:s24] =	ssyncset.done $0x0  }
0x14d: {  	s31 =	simm.s32 $0x161C0;
	[sflag:s24] =	ssyncadd.s32 $0xFFFFC000  }
0x14e: {  	[spmem:s2] =	stream.indirect.scatter.add.f32 [tilespmem:s30], [sflag:$0x8], $0x80, s31, s11, $0xb8;
	[tilespmem:$0x1E938] =	vst v63  }
0x14f: {  	_ =	swait.ge [sflag:s10], $0x4000  }
0x150: {  	[sflag:s10] =	ssyncset.done $0x0  }
.Ltmp5:
0x151: {  	[sflag:s10] =	ssyncadd.s32 $0xFFFFC000;
	(pc) =	sbr.rel .LBB2_7-.Ltmp5, $4  }
0x152: {  	[spmem:s4] =	stream.indirect.scatter.add.f32 [tilespmem:s16], [sflag:$0x8], $0x8, s31, s11, $0xb8;
	[tilespmem:$0x1E938] =	vst v63  }
0x153: {  	_ =	swait.ge [sflag:s10], $0x400  }
0x154: {  	[sflag:s10] =	ssyncset.done $0x0  }
0x155: {  	[sflag:s10] =	ssyncadd.s32 $0xFFFFFC00  }
.LBB2_8:
0x156: {  	_ =	sfence.sel $0x180000  }
0x157: {  	[bflag:$0x0] =	sbarrier.arrive $0xFFFF  }
0x158: {  	_ =	strace $0x90000047  }
0x159: {  	s0 =	stileid.u32;
	[bflag:$0x2] =	sbarrier.arrive $0xFFFF  }
0x15a: {  	p0 =	sne.s32 s0, $0x0;
	s0 =	rddreg [dreg:$0x4]  }
0x15b: {  	s0 =	sadd.s32 @!p0 $0x100000, s0  }
0x15c: {  	[sflag:s0] =	ssyncadd.tile.s32 @!p0 $0x1;
	_ =	shalt  }
.Lfunc_end2:
_tile_overlayer_lowered:
.L_overlay_start_2:
0x15d: {  	(tag) =	ssettag $0x2  }
0x15e: {  	s0 =	rddreg [dreg:$0x0];
	s2 =	stileid.u32  }
0x15f: {  	s1 =	rddreg [dreg:$0x1];
	p0 =	sne.s32 s2, $0x0  }
0x160: {  	s3 =	rddreg [dreg:$0x2];
	[bflag:$0x3] =	sbarrier.arrive $0xFFFF;
	s2 =	simm.s32 @!p0 $0x1C08  }
0x161: {  	[timem:s3], [sflag:s2] =	dma.local @!p0 [hbm:s0], s1  }
0x162: {  	s0 =	simm.s32 @!p0 $0x8  }
0x163: {  	_ =	swait.ge @!p0 [sflag:s0], s1  }
0x164: {  	s1 =	ssub.s32 @!p0 $0x0, s1;
	[sflag:s0] =	ssyncset.done @!p0 $0x0  }
0x165: {  	[sflag:s0] =	ssyncadd.s32 @!p0 s1  }
0x166: {  	[bflag:$0x3] =	sbarrier.arrive $0xFFFF  }
0x167: {  	_ =	shalt  }

</sc_bundles>
